<compile_context>
chip_gen: v7x
topology: tpu7x:2x2x1
jax: 0.10.2.dev20260603
libtpu: 0.0.44.dev20260713+nightly
codegen_flags: <defaults>
</compile_context>

<pallas_src>
import functools

import jax
import jax.numpy as jnp
from jax import lax
from jax.experimental import pallas as pl
from jax.experimental.pallas import tpu as pltpu
from jax.experimental.pallas import tpu_sc as plsc

B, N, DIM, K = 8, 2048, 32, 16
CH = 128
R0 = 2048
R1 = 512
R3 = 256
NW = 32
PER_W = (B * N * K) // NW
CS = 128
CW = PER_W // CS


def _knn_body(p_ref, pT_ref, x_ref, P1T, BwT, Bb, CwT, Cb, out_ref, tbl_ref):
    pblk = p_ref[0]
    pT = pT_ref[0]
    xblk = x_ref[0]
    bjt = jnp.dot(pblk, P1T[...], preferred_element_type=jnp.float32)
    xbt = jnp.dot(xblk, BwT[...], preferred_element_type=jnp.float32) + Bb[...]
    xct = jnp.dot(xblk, CwT[...], preferred_element_type=jnp.float32) + Cb[...]
    tbl_ref[0] = jnp.concatenate([bjt, xbt, xct], axis=1)
    dx = pblk[:, 0:1] - pT[0:1, :]
    dy = pblk[:, 1:2] - pT[1:2, :]
    dz = pblk[:, 2:3] - pT[2:3, :]
    d = (dx * dx + dy * dy) + dz * dz
    iota = lax.broadcasted_iota(jnp.int32, (R1, N), 1)
    kio = lax.broadcasted_iota(jnp.int32, (R1, K), 1)
    big = jnp.float32(jnp.inf)
    rowg = lax.broadcasted_iota(jnp.int32, (R1, N), 0) + pl.program_id(1) * R1
    d = jnp.where(iota == rowg, big, d)
    idx_acc = jnp.zeros((R1, K), jnp.int32)
    for t in range(K):
        mv = jnp.min(d, axis=1, keepdims=True)
        hit = d == mv
        sel = jnp.sum(jnp.where(hit, iota, 0), axis=1, keepdims=True)
        sel = jnp.minimum(sel, N - 1)
        idx_acc = idx_acc + jnp.where(kio == t, sel, 0)
        d = jnp.where(hit, big, d)
    out_ref[0] = idx_acc + pl.program_id(0) * N


def _knn(p, pT, x, tws):
    def wspec(shape):
        nd = len(shape)
        return pl.BlockSpec(shape, lambda b, r, _n=nd: (0,) * _n)

    return pl.pallas_call(
        _knn_body,
        grid=(B, N // R1),
        in_specs=[
            pl.BlockSpec((1, R1, 3), lambda b, r: (b, r, 0)),
            pl.BlockSpec((1, 3, N), lambda b, r: (b, 0, 0)),
            pl.BlockSpec((1, R1, DIM), lambda b, r: (b, r, 0)),
        ] + [wspec(w.shape) for w in tws],
        out_specs=[
            pl.BlockSpec((1, R1, K), lambda b, r: (b, r, 0)),
            pl.BlockSpec((1, R1, CH), lambda b, r: (b, r, 0)),
        ],
        out_shape=[
            jax.ShapeDtypeStruct((B, N, K), jnp.int32),
            jax.ShapeDtypeStruct((B, N, CH), jnp.float32),
        ],
    )(p, pT, x, *tws)


def _make_gather():
    mesh = plsc.VectorSubcoreMesh(core_axis_name="c", subcore_axis_name="s")

    @functools.partial(
        pl.kernel,
        mesh=mesh,
        out_type=jax.ShapeDtypeStruct((NW, CW, CS, CH), jnp.float32),
        scratch_types=[
            pltpu.VMEM((CW, CS), jnp.int32),
            pltpu.VMEM((CS, CH), jnp.float32),
            pltpu.VMEM((CS, CH), jnp.float32),
            pltpu.SemaphoreType.DMA,
            pltpu.SemaphoreType.DMA,
        ],
    )
    def gather_k(tbl_hbm, idx_hbm, out_hbm, idx_v, buf0, buf1, sem0, sem1):
        wid = lax.axis_index("s") * 2 + lax.axis_index("c")
        pltpu.sync_copy(idx_hbm.at[wid], idx_v)

        def body(i, carry):
            j0 = 2 * i
            j1 = j0 + 1
            c0 = pltpu.async_copy(tbl_hbm.at[idx_v.at[j0]], buf0, sem0)
            c1 = pltpu.async_copy(tbl_hbm.at[idx_v.at[j1]], buf1, sem1)
            c0.wait()
            pltpu.sync_copy(buf0, out_hbm.at[wid, j0])
            c1.wait()
            pltpu.sync_copy(buf1, out_hbm.at[wid, j1])
            return carry

        lax.fori_loop(0, CW // 2, body, 0)

    return gather_k


_gather_cache = []


def _gather_rows(tbl, idx3):
    if not _gather_cache:
        _gather_cache.append(_make_gather())
    return _gather_cache[0](tbl, idx3)


def _attn_body(g_ref, x_ref, p_ref, AwT, Ab,
               P1T, P1b, P2T, P2b, V1T, V1b, V2T, V2b, y_ref):
    KR = K * R3
    g3 = g_ref[0]
    bj = g3[:, :, 0:64]
    xb = g3[:, :, 64:96]
    xc = g3[:, :, 96:128]
    xblk = x_ref[0]
    pblk = p_ref[0]

    ai = jnp.dot(pblk, P1T[...], preferred_element_type=jnp.float32)
    e1 = jnp.maximum(ai[None, :, :] - bj + P1b[...], 0.0)
    pd = (jnp.dot(e1.reshape(KR, 64), P2T[...],
                  preferred_element_type=jnp.float32)
          + P2b[...]).reshape(K, R3, DIM)

    xi = jnp.dot(xblk, AwT[...], preferred_element_type=jnp.float32) + Ab[...]

    xx = xi[None, :, :] - xb + pd
    h2 = jnp.maximum(jnp.dot(xx.reshape(KR, DIM), V1T[...],
                             preferred_element_type=jnp.float32) + V1b[...], 0.0)
    vv = (jnp.dot(h2, V2T[...], preferred_element_type=jnp.float32)
          + V2b[...]).reshape(K, R3, DIM)

    m = jnp.max(vv, axis=0, keepdims=True)
    e = jnp.exp(vv - m)
    a = e * (1.0 / jnp.sum(e, axis=0, keepdims=True))
    y_ref[0] = jnp.sum(a * (pd + xc), axis=0)


def _attn(g, x, p, ws):
    def wspec(shape):
        nd = len(shape)
        return pl.BlockSpec(shape, lambda b, r, _n=nd: (0,) * _n)

    in_specs = [
        pl.BlockSpec((1, K, R3, CH), lambda b, r: (b, 0, r, 0)),
        pl.BlockSpec((1, R3, DIM), lambda b, r: (b, r, 0)),
        pl.BlockSpec((1, R3, 3), lambda b, r: (b, r, 0)),
    ] + [wspec(w.shape) for w in ws]
    return pl.pallas_call(
        _attn_body,
        grid=(B, N // R3),
        in_specs=in_specs,
        out_specs=pl.BlockSpec((1, R3, DIM), lambda b, r: (b, r, 0)),
        out_shape=jax.ShapeDtypeStruct((B, N, DIM), jnp.float32),
    )(g, x, p, *ws)


def kernel(x, p, Aw, Ab, Bw, Bb, Cw, Cb, P1w, P1b, P2w, P2b, V1w, V1b, V2w, V2b):
    pT = p.transpose(0, 2, 1)
    P1T = P1w.T
    tws = [P1T, Bw.T, Bb[None, :], Cw.T, Cb[None, :]]
    idx, tbl = _knn(p, pT, x, tws)

    idxT = idx.transpose(0, 2, 1)
    g = _gather_rows(tbl.reshape(B * N, CH), idxT.reshape(NW, CW, CS))
    g = g.reshape(B, K, N, CH)

    ws = [
        Aw.T, Ab[None, :],
        P1T, P1b[None, None, :],
        P2w.T, P2b[None, :],
        jnp.pad(V1w.T, ((0, 0), (0, 4))), jnp.pad(V1b, (0, 4))[None, :],
        jnp.pad(V2w.T, ((0, 4), (0, 0))), V2b[None, :],
    ]
    y = _attn(g, x, p, ws)
    return (y, p)

# --- scband reference (transcript-rebuilt; emitter-appended) ---
"""Pipeline reference for scband-point-transformer-29085518528923 (READ-ONLY COPY).

The authoritative reference and input builder live on the scoring server;
editing this copy changes nothing except your own understanding.
"""

import jax, jax.numpy as jnp
import numpy as np

B, N, DIM, K = 8, 2048, 32, 16
POS_INNER, VAL_INNER = 64, 4


def setup_inputs(seed: int = 0) -> dict:
    key = jax.random.key(seed)
    ks = jax.random.split(key, 16)
    s = 0.1
    return {
        "x": jax.random.normal(ks[0], (B, N, DIM), jnp.float32),
        "p": jax.random.uniform(ks[1], (B, N, 3), jnp.float32),
        "Aw": jax.random.normal(ks[2], (DIM, DIM), jnp.float32) * s,
        "Ab": jnp.zeros((DIM,), jnp.float32),
        "Bw": jax.random.normal(ks[3], (DIM, DIM), jnp.float32) * s,
        "Bb": jnp.zeros((DIM,), jnp.float32),
        "Cw": jax.random.normal(ks[4], (DIM, DIM), jnp.float32) * s,
        "Cb": jnp.zeros((DIM,), jnp.float32),
        "P1w": jax.random.normal(ks[5], (POS_INNER, 3), jnp.float32) * s,
        "P1b": jnp.zeros((POS_INNER,), jnp.float32),
        "P2w": jax.random.normal(ks[6], (DIM, POS_INNER), jnp.float32) * s,
        "P2b": jnp.zeros((DIM,), jnp.float32),
        "V1w": jax.random.normal(ks[7], (VAL_INNER, DIM), jnp.float32) * s,
        "V1b": jnp.zeros((VAL_INNER,), jnp.float32),
        "V2w": jax.random.normal(ks[8], (DIM, VAL_INNER), jnp.float32) * s,
        "V2b": jnp.zeros((DIM,), jnp.float32),
    }


def reference(x, p, Aw, Ab, Bw, Bb, Cw, Cb, P1w, P1b, P2w, P2b, V1w, V1b, V2w, V2b):
    b, n, dim = x.shape
    k = K
    # dense pairwise squared distances [B, N, N]
    distance = jnp.sum((p[:, :, None, :] - p[:, None, :, :]) ** 2, axis=-1)
    # kNN indices, skipping self (col 0 after sort)
    index = jnp.argsort(distance, axis=-1)[..., 1:k + 1]  # [B, N, K]
    idx = index.reshape(b, -1)  # [B, N*K]
    # gather neighbor positions
    new_p = jnp.take_along_axis(p, idx[..., None], axis=1).reshape(b, n, k, 3)
    posi_diff = p[:, :, None, :] - new_p  # [B, N, K, 3]
    # mlp_posi
    h = jnp.maximum(posi_diff @ P1w.T + P1b, 0.0)
    posi_diff = h @ P2w.T + P2b  # [B, N, K, DIM]
    # linear projections
    x_i = x @ Aw.T + Ab
    x_j1 = x @ Bw.T + Bb
    x_j2 = x @ Cw.T + Cb
    x_j1 = jnp.take_along_axis(x_j1, idx[..., None], axis=1).reshape(b, n, k, dim)
    x_j2 = jnp.take_along_axis(x_j2, idx[..., None], axis=1).reshape(b, n, k, dim)
    xx = x_i[:, :, None, :] - x_j1 + posi_diff
    # mlp_value
    h2 = jnp.maximum(xx @ V1w.T + V1b, 0.0)
    xx = h2 @ V2w.T + V2b
    attn = jax.nn.softmax(xx, axis=-2)
    posi = posi_diff + x_j2
    y = jnp.einsum('bijd,bijd->bid', attn, posi)
    return (y, p)

if __name__ == "__main__":
    import jax
    _d = setup_inputs()
    print(jax.jit(kernel)(*tuple(_d.values())))

</pallas_src>

<mosaic_0001>
#map = affine_map<(d0, d1) -> (0, 0)>
#map1 = affine_map<(d0, d1) -> (0, 0, 0)>
#map2 = affine_map<(d0, d1) -> (0, 0, 0, 0)>
module attributes {stable_mosaic.version = 14 : i64} {
  func.func @gather_k(%arg0: i32, %arg1: i32, %arg2: memref<16384x128xf32, #tpu.memory_space<hbm>>, %arg3: memref<32x64x128xi32, #tpu.memory_space<hbm>>, %arg4: memref<32x64x128x128xf32, #tpu.memory_space<hbm>>, %arg5: memref<64x128xi32, #tpu.memory_space<vmem>>, %arg6: memref<128x128xf32, #tpu.memory_space<vmem>>, %arg7: memref<128x128xf32, #tpu.memory_space<vmem>>, %arg8: memref<!tpu.dma_semaphore, #tpu.memory_space<semaphore_mem>>, %arg9: memref<!tpu.dma_semaphore, #tpu.memory_space<semaphore_mem>>) attributes {dimension_semantics = [#tpu.dimension_semantics<core_parallel>, #tpu.dimension_semantics<subcore_parallel>], iteration_bounds = array<i64: 2, 16>, scalar_prefetch = 0 : i64, scratch_operands = 5 : i64, tpu.core_type = #tpu.core_type<sc_vector_subcore>, window_params = [{transform_indices = #map}, {transform_indices = #map1}, {transform_indices = #map2}]} {
    %mul3A = arith.constant 2 : i32
    %mul3A_0 = arith.muli %arg1, %mul3A : i32
    %add3A = arith.addi %mul3A_0, %arg0 : i32
    "tpu.region"() ({
      %run_scoped3A = tpu.sem_alloc : memref<!tpu.dma_semaphore, #tpu.memory_space<semaphore_mem>>
      %dma_start3A = arith.constant 0 : i32
      %dma_start3A_6 = arith.constant 0 : i32
      %dma_start3A_7 = tpu.memref_slice %arg3[%add3A, %dma_start3A, %dma_start3A_6] : memref<32x64x128xi32, #tpu.memory_space<hbm>> -> memref<1x64x128xi32, #tpu.memory_space<hbm>>
      %dma_start3A_8 = tpu.memref_squeeze %dma_start3A_7 : memref<1x64x128xi32, #tpu.memory_space<hbm>> -> memref<64x128xi32, #tpu.memory_space<hbm>>
      %dma_start3A_9 = arith.constant 0 : i32
      %dma_start3A_10 = arith.constant 0 : i32
      %dma_start3A_11 = tpu.memref_slice %arg3[%add3A, %dma_start3A_9, %dma_start3A_10] : memref<32x64x128xi32, #tpu.memory_space<hbm>> -> memref<1x64x128xi32, #tpu.memory_space<hbm>>
      %dma_start3A_12 = tpu.memref_squeeze %dma_start3A_11 : memref<1x64x128xi32, #tpu.memory_space<hbm>> -> memref<64x128xi32, #tpu.memory_space<hbm>>
      tpu.enqueue_dma source(%dma_start3A_12 : memref<64x128xi32, #tpu.memory_space<hbm>>) target(%arg5 : memref<64x128xi32, #tpu.memory_space<vmem>>) target_semaphore(%run_scoped3A : memref<!tpu.dma_semaphore, #tpu.memory_space<semaphore_mem>>)
      %dma_wait3A = arith.constant 0 : i32
      %dma_wait3A_13 = arith.constant 0 : i32
      %dma_wait3A_14 = tpu.memref_slice %arg3[%add3A, %dma_wait3A, %dma_wait3A_13] : memref<32x64x128xi32, #tpu.memory_space<hbm>> -> memref<1x64x128xi32, #tpu.memory_space<hbm>>
      %dma_wait3A_15 = tpu.memref_squeeze %dma_wait3A_14 : memref<1x64x128xi32, #tpu.memory_space<hbm>> -> memref<64x128xi32, #tpu.memory_space<hbm>>
      %dma_wait3A_16 = arith.constant 0 : i32
      %dma_wait3A_17 = arith.constant 0 : i32
      %dma_wait3A_18 = tpu.memref_slice %arg3[%add3A, %dma_wait3A_16, %dma_wait3A_17] : memref<32x64x128xi32, #tpu.memory_space<hbm>> -> memref<1x64x128xi32, #tpu.memory_space<hbm>>
      %dma_wait3A_19 = tpu.memref_squeeze %dma_wait3A_18 : memref<1x64x128xi32, #tpu.memory_space<hbm>> -> memref<64x128xi32, #tpu.memory_space<hbm>>
      tpu.wait_dma2 semaphore(%run_scoped3A : memref<!tpu.dma_semaphore, #tpu.memory_space<semaphore_mem>>) src(%dma_wait3A_19 : memref<64x128xi32, #tpu.memory_space<hbm>>) dst(%arg5 : memref<64x128xi32, #tpu.memory_space<vmem>>)
      tpu.yield
    }) : () -> ()
    %scan3A = arith.constant 0 : i32
    %scan3A_1 = arith.constant 0 : i32
    %scan3A_2 = arith.constant 32 : i32
    %scan3A_3 = arith.addi %scan3A_1, %scan3A_2 : i32
    %scan3A_4 = arith.constant 1 : i32
    scf.for %scan3A_6 = %scan3A_1 to %scan3A_3 step %scan3A_4  : i32 {
      %mul3A_7 = arith.constant 2 : i32
      %mul3A_8 = arith.muli %mul3A_7, %scan3A_6 : i32
      %add3A_9 = arith.constant 1 : i32
      %add3A_10 = arith.addi %mul3A_8, %add3A_9 : i32
      %dma_start3A = arith.constant 0 : i32
      %dma_start3A_11 = tpu.memref_slice %arg5[%mul3A_8, %dma_start3A] : memref<64x128xi32, #tpu.memory_space<vmem>> -> memref<1x128xi32, #tpu.memory_space<vmem>>
      %dma_start3A_12 = tpu.memref_squeeze %dma_start3A_11 : memref<1x128xi32, #tpu.memory_space<vmem>> -> memref<128xi32, #tpu.memory_space<vmem>>
      %dma_start3A_13 = arith.constant 0 : i32
      %dma_start3A_14 = arith.constant 0 : i32
      %dma_start3A_15 = tpu.memref_slice %arg2[%dma_start3A_13, %dma_start3A_14] : memref<16384x128xf32, #tpu.memory_space<hbm>> -> memref<16384x128xf32, #tpu.memory_space<hbm>>
      tpu.enqueue_indirect_dma source(%dma_start3A_15 : memref<16384x128xf32, #tpu.memory_space<hbm>>) target(%arg6 : memref<128x128xf32, #tpu.memory_space<vmem>>) offsets(%dma_start3A_12 : memref<128xi32, #tpu.memory_space<vmem>>) semaphore(%arg8 : memref<!tpu.dma_semaphore, #tpu.memory_space<semaphore_mem>>)
      %dma_start3A_16 = arith.constant 0 : i32
      %dma_start3A_17 = tpu.memref_slice %arg5[%add3A_10, %dma_start3A_16] : memref<64x128xi32, #tpu.memory_space<vmem>> -> memref<1x128xi32, #tpu.memory_space<vmem>>
      %dma_start3A_18 = tpu.memref_squeeze %dma_start3A_17 : memref<1x128xi32, #tpu.memory_space<vmem>> -> memref<128xi32, #tpu.memory_space<vmem>>
      %dma_start3A_19 = arith.constant 0 : i32
      %dma_start3A_20 = arith.constant 0 : i32
      %dma_start3A_21 = tpu.memref_slice %arg2[%dma_start3A_19, %dma_start3A_20] : memref<16384x128xf32, #tpu.memory_space<hbm>> -> memref<16384x128xf32, #tpu.memory_space<hbm>>
      tpu.enqueue_indirect_dma source(%dma_start3A_21 : memref<16384x128xf32, #tpu.memory_space<hbm>>) target(%arg7 : memref<128x128xf32, #tpu.memory_space<vmem>>) offsets(%dma_start3A_18 : memref<128xi32, #tpu.memory_space<vmem>>) semaphore(%arg9 : memref<!tpu.dma_semaphore, #tpu.memory_space<semaphore_mem>>)
      %dma_wait3A = arith.constant 0 : i32
      %dma_wait3A_22 = tpu.memref_slice %arg5[%mul3A_8, %dma_wait3A] : memref<64x128xi32, #tpu.memory_space<vmem>> -> memref<1x128xi32, #tpu.memory_space<vmem>>
      %dma_wait3A_23 = tpu.memref_squeeze %dma_wait3A_22 : memref<1x128xi32, #tpu.memory_space<vmem>> -> memref<128xi32, #tpu.memory_space<vmem>>
      %dma_wait3A_24 = arith.constant 0 : i32
      %dma_wait3A_25 = arith.constant 0 : i32
      %dma_wait3A_26 = tpu.memref_slice %arg2[%dma_wait3A_24, %dma_wait3A_25] : memref<16384x128xf32, #tpu.memory_space<hbm>> -> memref<16384x128xf32, #tpu.memory_space<hbm>>
      tpu.wait_indirect_dma semaphore(%arg8 : memref<!tpu.dma_semaphore, #tpu.memory_space<semaphore_mem>>) src(%dma_wait3A_26 : memref<16384x128xf32, #tpu.memory_space<hbm>>) dst(%arg6 : memref<128x128xf32, #tpu.memory_space<vmem>>)
      "tpu.region"() ({
        %run_scoped3A = tpu.sem_alloc : memref<!tpu.dma_semaphore, #tpu.memory_space<semaphore_mem>>
        %dma_start3A_33 = arith.constant 0 : i32
        %dma_start3A_34 = arith.constant 0 : i32
        %dma_start3A_35 = tpu.memref_slice %arg4[%add3A, %mul3A_8, %dma_start3A_33, %dma_start3A_34] : memref<32x64x128x128xf32, #tpu.memory_space<hbm>> -> memref<1x1x128x128xf32, #tpu.memory_space<hbm>>
        %dma_start3A_36 = tpu.memref_squeeze %dma_start3A_35 : memref<1x1x128x128xf32, #tpu.memory_space<hbm>> -> memref<128x128xf32, #tpu.memory_space<hbm>>
        %dma_start3A_37 = arith.constant 0 : i32
        %dma_start3A_38 = arith.constant 0 : i32
        %dma_start3A_39 = tpu.memref_slice %arg4[%add3A, %mul3A_8, %dma_start3A_37, %dma_start3A_38] : memref<32x64x128x128xf32, #tpu.memory_space<hbm>> -> memref<1x1x128x128xf32, #tpu.memory_space<hbm>>
        %dma_start3A_40 = tpu.memref_squeeze %dma_start3A_39 : memref<1x1x128x128xf32, #tpu.memory_space<hbm>> -> memref<128x128xf32, #tpu.memory_space<hbm>>
        tpu.enqueue_dma source(%arg6 : memref<128x128xf32, #tpu.memory_space<vmem>>) target(%dma_start3A_40 : memref<128x128xf32, #tpu.memory_space<hbm>>) target_semaphore(%run_scoped3A : memref<!tpu.dma_semaphore, #tpu.memory_space<semaphore_mem>>)
        %dma_wait3A_41 = arith.constant 0 : i32
        %dma_wait3A_42 = arith.constant 0 : i32
        %dma_wait3A_43 = tpu.memref_slice %arg4[%add3A, %mul3A_8, %dma_wait3A_41, %dma_wait3A_42] : memref<32x64x128x128xf32, #tpu.memory_space<hbm>> -> memref<1x1x128x128xf32, #tpu.memory_space<hbm>>
        %dma_wait3A_44 = tpu.memref_squeeze %dma_wait3A_43 : memref<1x1x128x128xf32, #tpu.memory_space<hbm>> -> memref<128x128xf32, #tpu.memory_space<hbm>>
        %dma_wait3A_45 = arith.constant 0 : i32
        %dma_wait3A_46 = arith.constant 0 : i32
        %dma_wait3A_47 = tpu.memref_slice %arg4[%add3A, %mul3A_8, %dma_wait3A_45, %dma_wait3A_46] : memref<32x64x128x128xf32, #tpu.memory_space<hbm>> -> memref<1x1x128x128xf32, #tpu.memory_space<hbm>>
        %dma_wait3A_48 = tpu.memref_squeeze %dma_wait3A_47 : memref<1x1x128x128xf32, #tpu.memory_space<hbm>> -> memref<128x128xf32, #tpu.memory_space<hbm>>
        tpu.wait_dma2 semaphore(%run_scoped3A : memref<!tpu.dma_semaphore, #tpu.memory_space<semaphore_mem>>) src(%arg6 : memref<128x128xf32, #tpu.memory_space<vmem>>) dst(%dma_wait3A_48 : memref<128x128xf32, #tpu.memory_space<hbm>>)
        tpu.yield
      }) : () -> ()
      %dma_wait3A_27 = arith.constant 0 : i32
      %dma_wait3A_28 = tpu.memref_slice %arg5[%add3A_10, %dma_wait3A_27] : memref<64x128xi32, #tpu.memory_space<vmem>> -> memref<1x128xi32, #tpu.memory_space<vmem>>
      %dma_wait3A_29 = tpu.memref_squeeze %dma_wait3A_28 : memref<1x128xi32, #tpu.memory_space<vmem>> -> memref<128xi32, #tpu.memory_space<vmem>>
      %dma_wait3A_30 = arith.constant 0 : i32
      %dma_wait3A_31 = arith.constant 0 : i32
      %dma_wait3A_32 = tpu.memref_slice %arg2[%dma_wait3A_30, %dma_wait3A_31] : memref<16384x128xf32, #tpu.memory_space<hbm>> -> memref<16384x128xf32, #tpu.memory_space<hbm>>
      tpu.wait_indirect_dma semaphore(%arg9 : memref<!tpu.dma_semaphore, #tpu.memory_space<semaphore_mem>>) src(%dma_wait3A_32 : memref<16384x128xf32, #tpu.memory_space<hbm>>) dst(%arg7 : memref<128x128xf32, #tpu.memory_space<vmem>>)
      "tpu.region"() ({
        %run_scoped3A = tpu.sem_alloc : memref<!tpu.dma_semaphore, #tpu.memory_space<semaphore_mem>>
        %dma_start3A_33 = arith.constant 0 : i32
        %dma_start3A_34 = arith.constant 0 : i32
        %dma_start3A_35 = tpu.memref_slice %arg4[%add3A, %add3A_10, %dma_start3A_33, %dma_start3A_34] : memref<32x64x128x128xf32, #tpu.memory_space<hbm>> -> memref<1x1x128x128xf32, #tpu.memory_space<hbm>>
        %dma_start3A_36 = tpu.memref_squeeze %dma_start3A_35 : memref<1x1x128x128xf32, #tpu.memory_space<hbm>> -> memref<128x128xf32, #tpu.memory_space<hbm>>
        %dma_start3A_37 = arith.constant 0 : i32
        %dma_start3A_38 = arith.constant 0 : i32
        %dma_start3A_39 = tpu.memref_slice %arg4[%add3A, %add3A_10, %dma_start3A_37, %dma_start3A_38] : memref<32x64x128x128xf32, #tpu.memory_space<hbm>> -> memref<1x1x128x128xf32, #tpu.memory_space<hbm>>
        %dma_start3A_40 = tpu.memref_squeeze %dma_start3A_39 : memref<1x1x128x128xf32, #tpu.memory_space<hbm>> -> memref<128x128xf32, #tpu.memory_space<hbm>>
        tpu.enqueue_dma source(%arg7 : memref<128x128xf32, #tpu.memory_space<vmem>>) target(%dma_start3A_40 : memref<128x128xf32, #tpu.memory_space<hbm>>) target_semaphore(%run_scoped3A : memref<!tpu.dma_semaphore, #tpu.memory_space<semaphore_mem>>)
        %dma_wait3A_41 = arith.constant 0 : i32
        %dma_wait3A_42 = arith.constant 0 : i32
        %dma_wait3A_43 = tpu.memref_slice %arg4[%add3A, %add3A_10, %dma_wait3A_41, %dma_wait3A_42] : memref<32x64x128x128xf32, #tpu.memory_space<hbm>> -> memref<1x1x128x128xf32, #tpu.memory_space<hbm>>
        %dma_wait3A_44 = tpu.memref_squeeze %dma_wait3A_43 : memref<1x1x128x128xf32, #tpu.memory_space<hbm>> -> memref<128x128xf32, #tpu.memory_space<hbm>>
        %dma_wait3A_45 = arith.constant 0 : i32
        %dma_wait3A_46 = arith.constant 0 : i32
        %dma_wait3A_47 = tpu.memref_slice %arg4[%add3A, %add3A_10, %dma_wait3A_45, %dma_wait3A_46] : memref<32x64x128x128xf32, #tpu.memory_space<hbm>> -> memref<1x1x128x128xf32, #tpu.memory_space<hbm>>
        %dma_wait3A_48 = tpu.memref_squeeze %dma_wait3A_47 : memref<1x1x128x128xf32, #tpu.memory_space<hbm>> -> memref<128x128xf32, #tpu.memory_space<hbm>>
        tpu.wait_dma2 semaphore(%run_scoped3A : memref<!tpu.dma_semaphore, #tpu.memory_space<semaphore_mem>>) src(%arg7 : memref<128x128xf32, #tpu.memory_space<vmem>>) dst(%dma_wait3A_48 : memref<128x128xf32, #tpu.memory_space<hbm>>)
        tpu.yield
      }) : () -> ()
    }
    %scan3A_5 = arith.constant 32 : i32
    return
  }
}

module attributes {stable_mosaic.version = 14 : i64} {
  func.func @_knn_body(%arg0: i32, %arg1: i32, %arg2: memref<1x512x3xf32, #tpu.memory_space<vmem>>, %arg3: memref<1x3x2048xf32, #tpu.memory_space<vmem>>, %arg4: memref<1x512x32xf32, #tpu.memory_space<vmem>>, %arg5: memref<3x64xf32, #tpu.memory_space<vmem>>, %arg6: memref<32x32xf32, #tpu.memory_space<vmem>>, %arg7: memref<1x32xf32, #tpu.memory_space<vmem>>, %arg8: memref<32x32xf32, #tpu.memory_space<vmem>>, %arg9: memref<1x32xf32, #tpu.memory_space<vmem>>, %arg10: memref<1x512x16xi32, #tpu.memory_space<vmem>>, %arg11: memref<1x512x128xf32, #tpu.memory_space<vmem>>) attributes {dimension_semantics = [#tpu.dimension_semantics<arbitrary>, #tpu.dimension_semantics<arbitrary>], iteration_bounds = array<i64: 8, 4>, scalar_prefetch = 0 : i64, scratch_operands = 0 : i64, tpu.core_type = #tpu.core_type<tc>, window_params = [{transform_indices = @transform_0, window_bounds = array<i64: 1, 512, 3>}, {transform_indices = @transform_1, window_bounds = array<i64: 1, 3, 2048>}, {transform_indices = @transform_2, window_bounds = array<i64: 1, 512, 32>}, {pipeline_mode = #tpu.pipeline_mode<synchronous>, transform_indices = @transform_3, window_bounds = array<i64: 3, 64>}, {pipeline_mode = #tpu.pipeline_mode<synchronous>, transform_indices = @transform_4, window_bounds = array<i64: 32, 32>}, {pipeline_mode = #tpu.pipeline_mode<synchronous>, transform_indices = @transform_5, window_bounds = array<i64: 1, 32>}, {pipeline_mode = #tpu.pipeline_mode<synchronous>, transform_indices = @transform_6, window_bounds = array<i64: 32, 32>}, {pipeline_mode = #tpu.pipeline_mode<synchronous>, transform_indices = @transform_7, window_bounds = array<i64: 1, 32>}, {transform_indices = @transform_8, window_bounds = array<i64: 1, 512, 16>}, {transform_indices = @transform_9, window_bounds = array<i64: 1, 512, 128>}]} {
    %get3A = arith.constant 0 : index
    %get3A_0 = arith.constant 0 : index
    %get3A_1 = arith.constant 0 : index
    %get3A_2 = vector.load %arg2[%get3A, %get3A_0, %get3A_1] : memref<1x512x3xf32, #tpu.memory_space<vmem>>, vector<1x512x3xf32>
    %get3A_3 = vector.shape_cast %get3A_2 : vector<1x512x3xf32> to vector<512x3xf32>
    %get3A_4 = arith.constant 0 : index
    %get3A_5 = arith.constant 0 : index
    %get3A_6 = arith.constant 0 : index
    %get3A_7 = vector.load %arg3[%get3A_4, %get3A_5, %get3A_6] : memref<1x3x2048xf32, #tpu.memory_space<vmem>>, vector<1x3x2048xf32>
    %get3A_8 = vector.shape_cast %get3A_7 : vector<1x3x2048xf32> to vector<3x2048xf32>
    %get3A_9 = arith.constant 0 : index
    %get3A_10 = arith.constant 0 : index
    %get3A_11 = arith.constant 0 : index
    %get3A_12 = vector.load %arg4[%get3A_9, %get3A_10, %get3A_11] : memref<1x512x32xf32, #tpu.memory_space<vmem>>, vector<1x512x32xf32>
    %get3A_13 = vector.shape_cast %get3A_12 : vector<1x512x32xf32> to vector<512x32xf32>
    %get3A_14 = arith.constant 0 : index
    %get3A_15 = arith.constant 0 : index
    %get3A_16 = vector.load %arg5[%get3A_14, %get3A_15] : memref<3x64xf32, #tpu.memory_space<vmem>>, vector<3x64xf32>
    %dot_general3A = arith.constant dense<0.000000e+00> : vector<512x64xf32>
    %dot_general3A_17 = tpu.matmul %get3A_3, %get3A_16, %dot_general3A {dimension_numbers = #tpu.dot_dimension_numbers<[1], [0], [0], [1], [0, 0, 1, 1], [], []>, transpose_lhs_hint = false} : vector<512x3xf32>, vector<3x64xf32>, vector<512x64xf32> -> vector<512x64xf32>
    %get3A_18 = arith.constant 0 : index
    %get3A_19 = arith.constant 0 : index
    %get3A_20 = vector.load %arg6[%get3A_18, %get3A_19] : memref<32x32xf32, #tpu.memory_space<vmem>>, vector<32x32xf32>
    %dot_general3A_21 = arith.constant dense<0.000000e+00> : vector<512x32xf32>
    %dot_general3A_22 = tpu.matmul %get3A_13, %get3A_20, %dot_general3A_21 {dimension_numbers = #tpu.dot_dimension_numbers<[1], [0], [0], [1], [0, 0, 1, 1], [], []>, transpose_lhs_hint = false} : vector<512x32xf32>, vector<32x32xf32>, vector<512x32xf32> -> vector<512x32xf32>
    %get3A_23 = arith.constant 0 : index
    %get3A_24 = arith.constant 0 : index
    %get3A_25 = vector.load %arg7[%get3A_23, %get3A_24] : memref<1x32xf32, #tpu.memory_space<vmem>>, vector<1x32xf32>
    %add3A = vector.broadcast %get3A_25 : vector<1x32xf32> to vector<512x32xf32>
    %add3A_26 = arith.addf %dot_general3A_22, %add3A : vector<512x32xf32>
    %get3A_27 = arith.constant 0 : index
    %get3A_28 = arith.constant 0 : index
    %get3A_29 = vector.load %arg8[%get3A_27, %get3A_28] : memref<32x32xf32, #tpu.memory_space<vmem>>, vector<32x32xf32>
    %dot_general3A_30 = arith.constant dense<0.000000e+00> : vector<512x32xf32>
    %dot_general3A_31 = tpu.matmul %get3A_13, %get3A_29, %dot_general3A_30 {dimension_numbers = #tpu.dot_dimension_numbers<[1], [0], [0], [1], [0, 0, 1, 1], [], []>, transpose_lhs_hint = false} : vector<512x32xf32>, vector<32x32xf32>, vector<512x32xf32> -> vector<512x32xf32>
    %get3A_32 = arith.constant 0 : index
    %get3A_33 = arith.constant 0 : index
    %get3A_34 = vector.load %arg9[%get3A_32, %get3A_33] : memref<1x32xf32, #tpu.memory_space<vmem>>, vector<1x32xf32>
    %add3A_35 = vector.broadcast %get3A_34 : vector<1x32xf32> to vector<512x32xf32>
    %add3A_36 = arith.addf %dot_general3A_31, %add3A_35 : vector<512x32xf32>
    %concatenate3A = tpu.concatenate %dot_general3A_17, %add3A_26, %add3A_36 in 1 : vector<512x64xf32>, vector<512x32xf32>, vector<512x32xf32> -> vector<512x128xf32>
    %swap3A = arith.constant 0 : index
    %swap3A_37 = arith.constant 0 : index
    %swap3A_38 = arith.constant 0 : index
    %swap3A_39 = vector.load %arg11[%swap3A, %swap3A_37, %swap3A_38] : memref<1x512x128xf32, #tpu.memory_space<vmem>>, vector<1x512x128xf32>
    %swap3A_40 = vector.shape_cast %swap3A_39 : vector<1x512x128xf32> to vector<512x128xf32>
    %swap3A_41 = vector.shape_cast %concatenate3A : vector<512x128xf32> to vector<1x512x128xf32>
    tpu.vector_store %arg11[%swap3A, %swap3A_37, %swap3A_38], %swap3A_41 {strides = array<i32>} : memref<1x512x128xf32, #tpu.memory_space<vmem>>, vector<1x512x128xf32>,
    %slice3A = vector.extract_strided_slice %get3A_3 {offsets = [0, 0], sizes = [512, 1], strides = [1, 1]} : vector<512x3xf32> to vector<512x1xf32>
    %slice3A_42 = vector.extract_strided_slice %get3A_8 {offsets = [0, 0], sizes = [1, 2048], strides = [1, 1]} : vector<3x2048xf32> to vector<1x2048xf32>
    %sub3A = vector.broadcast %slice3A : vector<512x1xf32> to vector<512x2048xf32>
    %sub3A_43 = vector.broadcast %slice3A_42 : vector<1x2048xf32> to vector<512x2048xf32>
    %sub3A_44 = arith.subf %sub3A, %sub3A_43 : vector<512x2048xf32>
    %slice3A_45 = vector.extract_strided_slice %get3A_3 {offsets = [0, 1], sizes = [512, 1], strides = [1, 1]} : vector<512x3xf32> to vector<512x1xf32>
    %slice3A_46 = vector.extract_strided_slice %get3A_8 {offsets = [1, 0], sizes = [1, 2048], strides = [1, 1]} : vector<3x2048xf32> to vector<1x2048xf32>
    %sub3A_47 = vector.broadcast %slice3A_45 : vector<512x1xf32> to vector<512x2048xf32>
    %sub3A_48 = vector.broadcast %slice3A_46 : vector<1x2048xf32> to vector<512x2048xf32>
    %sub3A_49 = arith.subf %sub3A_47, %sub3A_48 : vector<512x2048xf32>
    %slice3A_50 = vector.extract_strided_slice %get3A_3 {offsets = [0, 2], sizes = [512, 1], strides = [1, 1]} : vector<512x3xf32> to vector<512x1xf32>
    %slice3A_51 = vector.extract_strided_slice %get3A_8 {offsets = [2, 0], sizes = [1, 2048], strides = [1, 1]} : vector<3x2048xf32> to vector<1x2048xf32>
    %sub3A_52 = vector.broadcast %slice3A_50 : vector<512x1xf32> to vector<512x2048xf32>
    %sub3A_53 = vector.broadcast %slice3A_51 : vector<1x2048xf32> to vector<512x2048xf32>
    %sub3A_54 = arith.subf %sub3A_52, %sub3A_53 : vector<512x2048xf32>
    %mul3A = arith.mulf %sub3A_44, %sub3A_44 : vector<512x2048xf32>
    %mul3A_55 = arith.mulf %sub3A_49, %sub3A_49 : vector<512x2048xf32>
    %add3A_56 = arith.addf %mul3A, %mul3A_55 : vector<512x2048xf32>
    %mul3A_57 = arith.mulf %sub3A_54, %sub3A_54 : vector<512x2048xf32>
    %add3A_58 = arith.addf %add3A_56, %mul3A_57 : vector<512x2048xf32>
    %iota3A = tpu.iota {dimensions = array<i32: 1>} : vector<512x2048xi32>
    %iota3A_59 = tpu.iota {dimensions = array<i32: 1>} : vector<512x16xi32>
    %iota3A_60 = tpu.iota {dimensions = array<i32: 0>} : vector<512x2048xi32>
    %mul3A_61 = arith.constant 512 : i32
    %mul3A_62 = arith.muli %arg1, %mul3A_61 : i32
    %add3A_63 = vector.broadcast %mul3A_62 : i32 to vector<512x2048xi32>
    %add3A_64 = arith.addi %iota3A_60, %add3A_63 : vector<512x2048xi32>
    %eq3A = arith.cmpi eq, %iota3A, %add3A_64 : vector<512x2048xi32>
    %jit3A = arith.constant 0x7F800000 : f32
    %broadcast_in_dim3A = vector.broadcast %jit3A : f32 to vector<512x2048xf32>
    %select_n3A = arith.select %eq3A, %broadcast_in_dim3A, %add3A_58 : vector<512x2048xi1>, vector<512x2048xf32>
    %broadcast_in_dim3A_65 = arith.constant 0 : i32
    %broadcast_in_dim3A_66 = vector.broadcast %broadcast_in_dim3A_65 : i32 to vector<512x16xi32>
    %reduce_min3A = arith.constant dense<0x7F800000> : vector<512xf32>
    %reduce_min3A_67 = vector.multi_reduction <minimumf>, %select_n3A, %reduce_min3A [1] : vector<512x2048xf32> to vector<512xf32>
    %broadcast_in_dim3A_68 = vector.shape_cast %reduce_min3A_67 : vector<512xf32> to vector<512x1xf32>
    %eq3A_69 = vector.broadcast %broadcast_in_dim3A_68 : vector<512x1xf32> to vector<512x2048xf32>
    %eq3A_70 = arith.cmpf oeq, %select_n3A, %eq3A_69 : vector<512x2048xf32>
    %jit3A_71 = arith.constant 0 : i32
    %broadcast_in_dim3A_72 = vector.broadcast %jit3A_71 : i32 to vector<512x2048xi32>
    %select_n3A_73 = arith.select %eq3A_70, %iota3A, %broadcast_in_dim3A_72 : vector<512x2048xi1>, vector<512x2048xi32>
    %reduce_sum3A = arith.constant dense<0> : vector<512xi32>
    %reduce_sum3A_74 = vector.multi_reduction <add>, %select_n3A_73, %reduce_sum3A [1] : vector<512x2048xi32> to vector<512xi32>
    %broadcast_in_dim3A_75 = vector.shape_cast %reduce_sum3A_74 : vector<512xi32> to vector<512x1xi32>
    %min3A = arith.constant 2047 : i32
    %min3A_76 = vector.broadcast %min3A : i32 to vector<512x1xi32>
    %min3A_77 = arith.minsi %broadcast_in_dim3A_75, %min3A_76 : vector<512x1xi32>
    %eq3A_78 = arith.constant 0 : i32
    %eq3A_79 = vector.broadcast %eq3A_78 : i32 to vector<512x16xi32>
    %eq3A_80 = arith.cmpi eq, %iota3A_59, %eq3A_79 : vector<512x16xi32>
    %jit3A_81 = arith.constant 0 : i32
    %broadcast_in_dim3A_82 = vector.shape_cast %min3A_77 : vector<512x1xi32> to vector<512x1xi32>
    %broadcast_in_dim3A_83 = vector.broadcast %broadcast_in_dim3A_82 : vector<512x1xi32> to vector<512x16xi32>
    %broadcast_in_dim3A_84 = vector.broadcast %jit3A_81 : i32 to vector<512x16xi32>
    %select_n3A_85 = arith.select %eq3A_80, %broadcast_in_dim3A_83, %broadcast_in_dim3A_84 : vector<512x16xi1>, vector<512x16xi32>
    %add3A_86 = arith.addi %broadcast_in_dim3A_66, %select_n3A_85 : vector<512x16xi32>
    %jit3A_87 = arith.constant 0x7F800000 : f32
    %broadcast_in_dim3A_88 = vector.broadcast %jit3A_87 : f32 to vector<512x2048xf32>
    %select_n3A_89 = arith.select %eq3A_70, %broadcast_in_dim3A_88, %select_n3A : vector<512x2048xi1>, vector<512x2048xf32>
    %reduce_min3A_90 = arith.constant dense<0x7F800000> : vector<512xf32>
    %reduce_min3A_91 = vector.multi_reduction <minimumf>, %select_n3A_89, %reduce_min3A_90 [1] : vector<512x2048xf32> to vector<512xf32>
    %broadcast_in_dim3A_92 = vector.shape_cast %reduce_min3A_91 : vector<512xf32> to vector<512x1xf32>
    %eq3A_93 = vector.broadcast %broadcast_in_dim3A_92 : vector<512x1xf32> to vector<512x2048xf32>
    %eq3A_94 = arith.cmpf oeq, %select_n3A_89, %eq3A_93 : vector<512x2048xf32>
    %jit3A_95 = arith.constant 0 : i32
    %broadcast_in_dim3A_96 = vector.broadcast %jit3A_95 : i32 to vector<512x2048xi32>
    %select_n3A_97 = arith.select %eq3A_94, %iota3A, %broadcast_in_dim3A_96 : vector<512x2048xi1>, vector<512x2048xi32>
    %reduce_sum3A_98 = arith.constant dense<0> : vector<512xi32>
    %reduce_sum3A_99 = vector.multi_reduction <add>, %select_n3A_97, %reduce_sum3A_98 [1] : vector<512x2048xi32> to vector<512xi32>
    %broadcast_in_dim3A_100 = vector.shape_cast %reduce_sum3A_99 : vector<512xi32> to vector<512x1xi32>
    %min3A_101 = arith.constant 2047 : i32
    %min3A_102 = vector.broadcast %min3A_101 : i32 to vector<512x1xi32>
    %min3A_103 = arith.minsi %broadcast_in_dim3A_100, %min3A_102 : vector<512x1xi32>
    %eq3A_104 = arith.constant 1 : i32
    %eq3A_105 = vector.broadcast %eq3A_104 : i32 to vector<512x16xi32>
    %eq3A_106 = arith.cmpi eq, %iota3A_59, %eq3A_105 : vector<512x16xi32>
    %jit3A_107 = arith.constant 0 : i32
    %broadcast_in_dim3A_108 = vector.shape_cast %min3A_103 : vector<512x1xi32> to vector<512x1xi32>
    %broadcast_in_dim3A_109 = vector.broadcast %broadcast_in_dim3A_108 : vector<512x1xi32> to vector<512x16xi32>
    %broadcast_in_dim3A_110 = vector.broadcast %jit3A_107 : i32 to vector<512x16xi32>
    %select_n3A_111 = arith.select %eq3A_106, %broadcast_in_dim3A_109, %broadcast_in_dim3A_110 : vector<512x16xi1>, vector<512x16xi32>
    %add3A_112 = arith.addi %add3A_86, %select_n3A_111 : vector<512x16xi32>
    %jit3A_113 = arith.constant 0x7F800000 : f32
    %broadcast_in_dim3A_114 = vector.broadcast %jit3A_113 : f32 to vector<512x2048xf32>
    %select_n3A_115 = arith.select %eq3A_94, %broadcast_in_dim3A_114, %select_n3A_89 : vector<512x2048xi1>, vector<512x2048xf32>
    %reduce_min3A_116 = arith.constant dense<0x7F800000> : vector<512xf32>
    %reduce_min3A_117 = vector.multi_reduction <minimumf>, %select_n3A_115, %reduce_min3A_116 [1] : vector<512x2048xf32> to vector<512xf32>
    %broadcast_in_dim3A_118 = vector.shape_cast %reduce_min3A_117 : vector<512xf32> to vector<512x1xf32>
    %eq3A_119 = vector.broadcast %broadcast_in_dim3A_118 : vector<512x1xf32> to vector<512x2048xf32>
    %eq3A_120 = arith.cmpf oeq, %select_n3A_115, %eq3A_119 : vector<512x2048xf32>
    %jit3A_121 = arith.constant 0 : i32
    %broadcast_in_dim3A_122 = vector.broadcast %jit3A_121 : i32 to vector<512x2048xi32>
    %select_n3A_123 = arith.select %eq3A_120, %iota3A, %broadcast_in_dim3A_122 : vector<512x2048xi1>, vector<512x2048xi32>
    %reduce_sum3A_124 = arith.constant dense<0> : vector<512xi32>
    %reduce_sum3A_125 = vector.multi_reduction <add>, %select_n3A_123, %reduce_sum3A_124 [1] : vector<512x2048xi32> to vector<512xi32>
    %broadcast_in_dim3A_126 = vector.shape_cast %reduce_sum3A_125 : vector<512xi32> to vector<512x1xi32>
    %min3A_127 = arith.constant 2047 : i32
    %min3A_128 = vector.broadcast %min3A_127 : i32 to vector<512x1xi32>
    %min3A_129 = arith.minsi %broadcast_in_dim3A_126, %min3A_128 : vector<512x1xi32>
    %eq3A_130 = arith.constant 2 : i32
    %eq3A_131 = vector.broadcast %eq3A_130 : i32 to vector<512x16xi32>
    %eq3A_132 = arith.cmpi eq, %iota3A_59, %eq3A_131 : vector<512x16xi32>
    %jit3A_133 = arith.constant 0 : i32
    %broadcast_in_dim3A_134 = vector.shape_cast %min3A_129 : vector<512x1xi32> to vector<512x1xi32>
    %broadcast_in_dim3A_135 = vector.broadcast %broadcast_in_dim3A_134 : vector<512x1xi32> to vector<512x16xi32>
    %broadcast_in_dim3A_136 = vector.broadcast %jit3A_133 : i32 to vector<512x16xi32>
    %select_n3A_137 = arith.select %eq3A_132, %broadcast_in_dim3A_135, %broadcast_in_dim3A_136 : vector<512x16xi1>, vector<512x16xi32>
    %add3A_138 = arith.addi %add3A_112, %select_n3A_137 : vector<512x16xi32>
    %jit3A_139 = arith.constant 0x7F800000 : f32
    %broadcast_in_dim3A_140 = vector.broadcast %jit3A_139 : f32 to vector<512x2048xf32>
    %select_n3A_141 = arith.select %eq3A_120, %broadcast_in_dim3A_140, %select_n3A_115 : vector<512x2048xi1>, vector<512x2048xf32>
    %reduce_min3A_142 = arith.constant dense<0x7F800000> : vector<512xf32>
    %reduce_min3A_143 = vector.multi_reduction <minimumf>, %select_n3A_141, %reduce_min3A_142 [1] : vector<512x2048xf32> to vector<512xf32>
    %broadcast_in_dim3A_144 = vector.shape_cast %reduce_min3A_143 : vector<512xf32> to vector<512x1xf32>
    %eq3A_145 = vector.broadcast %broadcast_in_dim3A_144 : vector<512x1xf32> to vector<512x2048xf32>
    %eq3A_146 = arith.cmpf oeq, %select_n3A_141, %eq3A_145 : vector<512x2048xf32>
    %jit3A_147 = arith.constant 0 : i32
    %broadcast_in_dim3A_148 = vector.broadcast %jit3A_147 : i32 to vector<512x2048xi32>
    %select_n3A_149 = arith.select %eq3A_146, %iota3A, %broadcast_in_dim3A_148 : vector<512x2048xi1>, vector<512x2048xi32>
    %reduce_sum3A_150 = arith.constant dense<0> : vector<512xi32>
    %reduce_sum3A_151 = vector.multi_reduction <add>, %select_n3A_149, %reduce_sum3A_150 [1] : vector<512x2048xi32> to vector<512xi32>
    %broadcast_in_dim3A_152 = vector.shape_cast %reduce_sum3A_151 : vector<512xi32> to vector<512x1xi32>
    %min3A_153 = arith.constant 2047 : i32
    %min3A_154 = vector.broadcast %min3A_153 : i32 to vector<512x1xi32>
    %min3A_155 = arith.minsi %broadcast_in_dim3A_152, %min3A_154 : vector<512x1xi32>
    %eq3A_156 = arith.constant 3 : i32
    %eq3A_157 = vector.broadcast %eq3A_156 : i32 to vector<512x16xi32>
    %eq3A_158 = arith.cmpi eq, %iota3A_59, %eq3A_157 : vector<512x16xi32>
    %jit3A_159 = arith.constant 0 : i32
    %broadcast_in_dim3A_160 = vector.shape_cast %min3A_155 : vector<512x1xi32> to vector<512x1xi32>
    %broadcast_in_dim3A_161 = vector.broadcast %broadcast_in_dim3A_160 : vector<512x1xi32> to vector<512x16xi32>
    %broadcast_in_dim3A_162 = vector.broadcast %jit3A_159 : i32 to vector<512x16xi32>
    %select_n3A_163 = arith.select %eq3A_158, %broadcast_in_dim3A_161, %broadcast_in_dim3A_162 : vector<512x16xi1>, vector<512x16xi32>
    %add3A_164 = arith.addi %add3A_138, %select_n3A_163 : vector<512x16xi32>
    %jit3A_165 = arith.constant 0x7F800000 : f32
    %broadcast_in_dim3A_166 = vector.broadcast %jit3A_165 : f32 to vector<512x2048xf32>
    %select_n3A_167 = arith.select %eq3A_146, %broadcast_in_dim3A_166, %select_n3A_141 : vector<512x2048xi1>, vector<512x2048xf32>
    %reduce_min3A_168 = arith.constant dense<0x7F800000> : vector<512xf32>
    %reduce_min3A_169 = vector.multi_reduction <minimumf>, %select_n3A_167, %reduce_min3A_168 [1] : vector<512x2048xf32> to vector<512xf32>
    %broadcast_in_dim3A_170 = vector.shape_cast %reduce_min3A_169 : vector<512xf32> to vector<512x1xf32>
    %eq3A_171 = vector.broadcast %broadcast_in_dim3A_170 : vector<512x1xf32> to vector<512x2048xf32>
    %eq3A_172 = arith.cmpf oeq, %select_n3A_167, %eq3A_171 : vector<512x2048xf32>
    %jit3A_173 = arith.constant 0 : i32
    %broadcast_in_dim3A_174 = vector.broadcast %jit3A_173 : i32 to vector<512x2048xi32>
    %select_n3A_175 = arith.select %eq3A_172, %iota3A, %broadcast_in_dim3A_174 : vector<512x2048xi1>, vector<512x2048xi32>
    %reduce_sum3A_176 = arith.constant dense<0> : vector<512xi32>
    %reduce_sum3A_177 = vector.multi_reduction <add>, %select_n3A_175, %reduce_sum3A_176 [1] : vector<512x2048xi32> to vector<512xi32>
    %broadcast_in_dim3A_178 = vector.shape_cast %reduce_sum3A_177 : vector<512xi32> to vector<512x1xi32>
    %min3A_179 = arith.constant 2047 : i32
    %min3A_180 = vector.broadcast %min3A_179 : i32 to vector<512x1xi32>
    %min3A_181 = arith.minsi %broadcast_in_dim3A_178, %min3A_180 : vector<512x1xi32>
    %eq3A_182 = arith.constant 4 : i32
    %eq3A_183 = vector.broadcast %eq3A_182 : i32 to vector<512x16xi32>
    %eq3A_184 = arith.cmpi eq, %iota3A_59, %eq3A_183 : vector<512x16xi32>
    %jit3A_185 = arith.constant 0 : i32
    %broadcast_in_dim3A_186 = vector.shape_cast %min3A_181 : vector<512x1xi32> to vector<512x1xi32>
    %broadcast_in_dim3A_187 = vector.broadcast %broadcast_in_dim3A_186 : vector<512x1xi32> to vector<512x16xi32>
    %broadcast_in_dim3A_188 = vector.broadcast %jit3A_185 : i32 to vector<512x16xi32>
    %select_n3A_189 = arith.select %eq3A_184, %broadcast_in_dim3A_187, %broadcast_in_dim3A_188 : vector<512x16xi1>, vector<512x16xi32>
    %add3A_190 = arith.addi %add3A_164, %select_n3A_189 : vector<512x16xi32>
    %jit3A_191 = arith.constant 0x7F800000 : f32
    %broadcast_in_dim3A_192 = vector.broadcast %jit3A_191 : f32 to vector<512x2048xf32>
    %select_n3A_193 = arith.select %eq3A_172, %broadcast_in_dim3A_192, %select_n3A_167 : vector<512x2048xi1>, vector<512x2048xf32>
    %reduce_min3A_194 = arith.constant dense<0x7F800000> : vector<512xf32>
    %reduce_min3A_195 = vector.multi_reduction <minimumf>, %select_n3A_193, %reduce_min3A_194 [1] : vector<512x2048xf32> to vector<512xf32>
    %broadcast_in_dim3A_196 = vector.shape_cast %reduce_min3A_195 : vector<512xf32> to vector<512x1xf32>
    %eq3A_197 = vector.broadcast %broadcast_in_dim3A_196 : vector<512x1xf32> to vector<512x2048xf32>
    %eq3A_198 = arith.cmpf oeq, %select_n3A_193, %eq3A_197 : vector<512x2048xf32>
    %jit3A_199 = arith.constant 0 : i32
    %broadcast_in_dim3A_200 = vector.broadcast %jit3A_199 : i32 to vector<512x2048xi32>
    %select_n3A_201 = arith.select %eq3A_198, %iota3A, %broadcast_in_dim3A_200 : vector<512x2048xi1>, vector<512x2048xi32>
    %reduce_sum3A_202 = arith.constant dense<0> : vector<512xi32>
    %reduce_sum3A_203 = vector.multi_reduction <add>, %select_n3A_201, %reduce_sum3A_202 [1] : vector<512x2048xi32> to vector<512xi32>
    %broadcast_in_dim3A_204 = vector.shape_cast %reduce_sum3A_203 : vector<512xi32> to vector<512x1xi32>
    %min3A_205 = arith.constant 2047 : i32
    %min3A_206 = vector.broadcast %min3A_205 : i32 to vector<512x1xi32>
    %min3A_207 = arith.minsi %broadcast_in_dim3A_204, %min3A_206 : vector<512x1xi32>
    %eq3A_208 = arith.constant 5 : i32
    %eq3A_209 = vector.broadcast %eq3A_208 : i32 to vector<512x16xi32>
    %eq3A_210 = arith.cmpi eq, %iota3A_59, %eq3A_209 : vector<512x16xi32>
    %jit3A_211 = arith.constant 0 : i32
    %broadcast_in_dim3A_212 = vector.shape_cast %min3A_207 : vector<512x1xi32> to vector<512x1xi32>
    %broadcast_in_dim3A_213 = vector.broadcast %broadcast_in_dim3A_212 : vector<512x1xi32> to vector<512x16xi32>
    %broadcast_in_dim3A_214 = vector.broadcast %jit3A_211 : i32 to vector<512x16xi32>
    %select_n3A_215 = arith.select %eq3A_210, %broadcast_in_dim3A_213, %broadcast_in_dim3A_214 : vector<512x16xi1>, vector<512x16xi32>
    %add3A_216 = arith.addi %add3A_190, %select_n3A_215 : vector<512x16xi32>
    %jit3A_217 = arith.constant 0x7F800000 : f32
    %broadcast_in_dim3A_218 = vector.broadcast %jit3A_217 : f32 to vector<512x2048xf32>
    %select_n3A_219 = arith.select %eq3A_198, %broadcast_in_dim3A_218, %select_n3A_193 : vector<512x2048xi1>, vector<512x2048xf32>
    %reduce_min3A_220 = arith.constant dense<0x7F800000> : vector<512xf32>
    %reduce_min3A_221 = vector.multi_reduction <minimumf>, %select_n3A_219, %reduce_min3A_220 [1] : vector<512x2048xf32> to vector<512xf32>
    %broadcast_in_dim3A_222 = vector.shape_cast %reduce_min3A_221 : vector<512xf32> to vector<512x1xf32>
    %eq3A_223 = vector.broadcast %broadcast_in_dim3A_222 : vector<512x1xf32> to vector<512x2048xf32>
    %eq3A_224 = arith.cmpf oeq, %select_n3A_219, %eq3A_223 : vector<512x2048xf32>
    %jit3A_225 = arith.constant 0 : i32
    %broadcast_in_dim3A_226 = vector.broadcast %jit3A_225 : i32 to vector<512x2048xi32>
    %select_n3A_227 = arith.select %eq3A_224, %iota3A, %broadcast_in_dim3A_226 : vector<512x2048xi1>, vector<512x2048xi32>
    %reduce_sum3A_228 = arith.constant dense<0> : vector<512xi32>
    %reduce_sum3A_229 = vector.multi_reduction <add>, %select_n3A_227, %reduce_sum3A_228 [1] : vector<512x2048xi32> to vector<512xi32>
    %broadcast_in_dim3A_230 = vector.shape_cast %reduce_sum3A_229 : vector<512xi32> to vector<512x1xi32>
    %min3A_231 = arith.constant 2047 : i32
    %min3A_232 = vector.broadcast %min3A_231 : i32 to vector<512x1xi32>
    %min3A_233 = arith.minsi %broadcast_in_dim3A_230, %min3A_232 : vector<512x1xi32>
    %eq3A_234 = arith.constant 6 : i32
    %eq3A_235 = vector.broadcast %eq3A_234 : i32 to vector<512x16xi32>
    %eq3A_236 = arith.cmpi eq, %iota3A_59, %eq3A_235 : vector<512x16xi32>
    %jit3A_237 = arith.constant 0 : i32
    %broadcast_in_dim3A_238 = vector.shape_cast %min3A_233 : vector<512x1xi32> to vector<512x1xi32>
    %broadcast_in_dim3A_239 = vector.broadcast %broadcast_in_dim3A_238 : vector<512x1xi32> to vector<512x16xi32>
    %broadcast_in_dim3A_240 = vector.broadcast %jit3A_237 : i32 to vector<512x16xi32>
    %select_n3A_241 = arith.select %eq3A_236, %broadcast_in_dim3A_239, %broadcast_in_dim3A_240 : vector<512x16xi1>, vector<512x16xi32>
    %add3A_242 = arith.addi %add3A_216, %select_n3A_241 : vector<512x16xi32>
    %jit3A_243 = arith.constant 0x7F800000 : f32
    %broadcast_in_dim3A_244 = vector.broadcast %jit3A_243 : f32 to vector<512x2048xf32>
    %select_n3A_245 = arith.select %eq3A_224, %broadcast_in_dim3A_244, %select_n3A_219 : vector<512x2048xi1>, vector<512x2048xf32>
    %reduce_min3A_246 = arith.constant dense<0x7F800000> : vector<512xf32>
    %reduce_min3A_247 = vector.multi_reduction <minimumf>, %select_n3A_245, %reduce_min3A_246 [1] : vector<512x2048xf32> to vector<512xf32>
    %broadcast_in_dim3A_248 = vector.shape_cast %reduce_min3A_247 : vector<512xf32> to vector<512x1xf32>
    %eq3A_249 = vector.broadcast %broadcast_in_dim3A_248 : vector<512x1xf32> to vector<512x2048xf32>
    %eq3A_250 = arith.cmpf oeq, %select_n3A_245, %eq3A_249 : vector<512x2048xf32>
    %jit3A_251 = arith.constant 0 : i32
    %broadcast_in_dim3A_252 = vector.broadcast %jit3A_251 : i32 to vector<512x2048xi32>
    %select_n3A_253 = arith.select %eq3A_250, %iota3A, %broadcast_in_dim3A_252 : vector<512x2048xi1>, vector<512x2048xi32>
    %reduce_sum3A_254 = arith.constant dense<0> : vector<512xi32>
    %reduce_sum3A_255 = vector.multi_reduction <add>, %select_n3A_253, %reduce_sum3A_254 [1] : vector<512x2048xi32> to vector<512xi32>
    %broadcast_in_dim3A_256 = vector.shape_cast %reduce_sum3A_255 : vector<512xi32> to vector<512x1xi32>
    %min3A_257 = arith.constant 2047 : i32
    %min3A_258 = vector.broadcast %min3A_257 : i32 to vector<512x1xi32>
    %min3A_259 = arith.minsi %broadcast_in_dim3A_256, %min3A_258 : vector<512x1xi32>
    %eq3A_260 = arith.constant 7 : i32
    %eq3A_261 = vector.broadcast %eq3A_260 : i32 to vector<512x16xi32>
    %eq3A_262 = arith.cmpi eq, %iota3A_59, %eq3A_261 : vector<512x16xi32>
    %jit3A_263 = arith.constant 0 : i32
    %broadcast_in_dim3A_264 = vector.shape_cast %min3A_259 : vector<512x1xi32> to vector<512x1xi32>
    %broadcast_in_dim3A_265 = vector.broadcast %broadcast_in_dim3A_264 : vector<512x1xi32> to vector<512x16xi32>
    %broadcast_in_dim3A_266 = vector.broadcast %jit3A_263 : i32 to vector<512x16xi32>
    %select_n3A_267 = arith.select %eq3A_262, %broadcast_in_dim3A_265, %broadcast_in_dim3A_266 : vector<512x16xi1>, vector<512x16xi32>
    %add3A_268 = arith.addi %add3A_242, %select_n3A_267 : vector<512x16xi32>
    %jit3A_269 = arith.constant 0x7F800000 : f32
    %broadcast_in_dim3A_270 = vector.broadcast %jit3A_269 : f32 to vector<512x2048xf32>
    %select_n3A_271 = arith.select %eq3A_250, %broadcast_in_dim3A_270, %select_n3A_245 : vector<512x2048xi1>, vector<512x2048xf32>
    %reduce_min3A_272 = arith.constant dense<0x7F800000> : vector<512xf32>
    %reduce_min3A_273 = vector.multi_reduction <minimumf>, %select_n3A_271, %reduce_min3A_272 [1] : vector<512x2048xf32> to vector<512xf32>
    %broadcast_in_dim3A_274 = vector.shape_cast %reduce_min3A_273 : vector<512xf32> to vector<512x1xf32>
    %eq3A_275 = vector.broadcast %broadcast_in_dim3A_274 : vector<512x1xf32> to vector<512x2048xf32>
    %eq3A_276 = arith.cmpf oeq, %select_n3A_271, %eq3A_275 : vector<512x2048xf32>
    %jit3A_277 = arith.constant 0 : i32
    %broadcast_in_dim3A_278 = vector.broadcast %jit3A_277 : i32 to vector<512x2048xi32>
    %select_n3A_279 = arith.select %eq3A_276, %iota3A, %broadcast_in_dim3A_278 : vector<512x2048xi1>, vector<512x2048xi32>
    %reduce_sum3A_280 = arith.constant dense<0> : vector<512xi32>
    %reduce_sum3A_281 = vector.multi_reduction <add>, %select_n3A_279, %reduce_sum3A_280 [1] : vector<512x2048xi32> to vector<512xi32>
    %broadcast_in_dim3A_282 = vector.shape_cast %reduce_sum3A_281 : vector<512xi32> to vector<512x1xi32>
    %min3A_283 = arith.constant 2047 : i32
    %min3A_284 = vector.broadcast %min3A_283 : i32 to vector<512x1xi32>
    %min3A_285 = arith.minsi %broadcast_in_dim3A_282, %min3A_284 : vector<512x1xi32>
    %eq3A_286 = arith.constant 8 : i32
    %eq3A_287 = vector.broadcast %eq3A_286 : i32 to vector<512x16xi32>
    %eq3A_288 = arith.cmpi eq, %iota3A_59, %eq3A_287 : vector<512x16xi32>
    %jit3A_289 = arith.constant 0 : i32
    %broadcast_in_dim3A_290 = vector.shape_cast %min3A_285 : vector<512x1xi32> to vector<512x1xi32>
    %broadcast_in_dim3A_291 = vector.broadcast %broadcast_in_dim3A_290 : vector<512x1xi32> to vector<512x16xi32>
    %broadcast_in_dim3A_292 = vector.broadcast %jit3A_289 : i32 to vector<512x16xi32>
    %select_n3A_293 = arith.select %eq3A_288, %broadcast_in_dim3A_291, %broadcast_in_dim3A_292 : vector<512x16xi1>, vector<512x16xi32>
    %add3A_294 = arith.addi %add3A_268, %select_n3A_293 : vector<512x16xi32>
    %jit3A_295 = arith.constant 0x7F800000 : f32
    %broadcast_in_dim3A_296 = vector.broadcast %jit3A_295 : f32 to vector<512x2048xf32>
    %select_n3A_297 = arith.select %eq3A_276, %broadcast_in_dim3A_296, %select_n3A_271 : vector<512x2048xi1>, vector<512x2048xf32>
    %reduce_min3A_298 = arith.constant dense<0x7F800000> : vector<512xf32>
    %reduce_min3A_299 = vector.multi_reduction <minimumf>, %select_n3A_297, %reduce_min3A_298 [1] : vector<512x2048xf32> to vector<512xf32>
    %broadcast_in_dim3A_300 = vector.shape_cast %reduce_min3A_299 : vector<512xf32> to vector<512x1xf32>
    %eq3A_301 = vector.broadcast %broadcast_in_dim3A_300 : vector<512x1xf32> to vector<512x2048xf32>
    %eq3A_302 = arith.cmpf oeq, %select_n3A_297, %eq3A_301 : vector<512x2048xf32>
    %jit3A_303 = arith.constant 0 : i32
    %broadcast_in_dim3A_304 = vector.broadcast %jit3A_303 : i32 to vector<512x2048xi32>
    %select_n3A_305 = arith.select %eq3A_302, %iota3A, %broadcast_in_dim3A_304 : vector<512x2048xi1>, vector<512x2048xi32>
    %reduce_sum3A_306 = arith.constant dense<0> : vector<512xi32>
    %reduce_sum3A_307 = vector.multi_reduction <add>, %select_n3A_305, %reduce_sum3A_306 [1] : vector<512x2048xi32> to vector<512xi32>
    %broadcast_in_dim3A_308 = vector.shape_cast %reduce_sum3A_307 : vector<512xi32> to vector<512x1xi32>
    %min3A_309 = arith.constant 2047 : i32
    %min3A_310 = vector.broadcast %min3A_309 : i32 to vector<512x1xi32>
    %min3A_311 = arith.minsi %broadcast_in_dim3A_308, %min3A_310 : vector<512x1xi32>
    %eq3A_312 = arith.constant 9 : i32
    %eq3A_313 = vector.broadcast %eq3A_312 : i32 to vector<512x16xi32>
    %eq3A_314 = arith.cmpi eq, %iota3A_59, %eq3A_313 : vector<512x16xi32>
    %jit3A_315 = arith.constant 0 : i32
    %broadcast_in_dim3A_316 = vector.shape_cast %min3A_311 : vector<512x1xi32> to vector<512x1xi32>
    %broadcast_in_dim3A_317 = vector.broadcast %broadcast_in_dim3A_316 : vector<512x1xi32> to vector<512x16xi32>
    %broadcast_in_dim3A_318 = vector.broadcast %jit3A_315 : i32 to vector<512x16xi32>
    %select_n3A_319 = arith.select %eq3A_314, %broadcast_in_dim3A_317, %broadcast_in_dim3A_318 : vector<512x16xi1>, vector<512x16xi32>
    %add3A_320 = arith.addi %add3A_294, %select_n3A_319 : vector<512x16xi32>
    %jit3A_321 = arith.constant 0x7F800000 : f32
    %broadcast_in_dim3A_322 = vector.broadcast %jit3A_321 : f32 to vector<512x2048xf32>
    %select_n3A_323 = arith.select %eq3A_302, %broadcast_in_dim3A_322, %select_n3A_297 : vector<512x2048xi1>, vector<512x2048xf32>
    %reduce_min3A_324 = arith.constant dense<0x7F800000> : vector<512xf32>
    %reduce_min3A_325 = vector.multi_reduction <minimumf>, %select_n3A_323, %reduce_min3A_324 [1] : vector<512x2048xf32> to vector<512xf32>
    %broadcast_in_dim3A_326 = vector.shape_cast %reduce_min3A_325 : vector<512xf32> to vector<512x1xf32>
    %eq3A_327 = vector.broadcast %broadcast_in_dim3A_326 : vector<512x1xf32> to vector<512x2048xf32>
    %eq3A_328 = arith.cmpf oeq, %select_n3A_323, %eq3A_327 : vector<512x2048xf32>
    %jit3A_329 = arith.constant 0 : i32
    %broadcast_in_dim3A_330 = vector.broadcast %jit3A_329 : i32 to vector<512x2048xi32>
    %select_n3A_331 = arith.select %eq3A_328, %iota3A, %broadcast_in_dim3A_330 : vector<512x2048xi1>, vector<512x2048xi32>
    %reduce_sum3A_332 = arith.constant dense<0> : vector<512xi32>
    %reduce_sum3A_333 = vector.multi_reduction <add>, %select_n3A_331, %reduce_sum3A_332 [1] : vector<512x2048xi32> to vector<512xi32>
    %broadcast_in_dim3A_334 = vector.shape_cast %reduce_sum3A_333 : vector<512xi32> to vector<512x1xi32>
    %min3A_335 = arith.constant 2047 : i32
    %min3A_336 = vector.broadcast %min3A_335 : i32 to vector<512x1xi32>
    %min3A_337 = arith.minsi %broadcast_in_dim3A_334, %min3A_336 : vector<512x1xi32>
    %eq3A_338 = arith.constant 10 : i32
    %eq3A_339 = vector.broadcast %eq3A_338 : i32 to vector<512x16xi32>
    %eq3A_340 = arith.cmpi eq, %iota3A_59, %eq3A_339 : vector<512x16xi32>
    %jit3A_341 = arith.constant 0 : i32
    %broadcast_in_dim3A_342 = vector.shape_cast %min3A_337 : vector<512x1xi32> to vector<512x1xi32>
    %broadcast_in_dim3A_343 = vector.broadcast %broadcast_in_dim3A_342 : vector<512x1xi32> to vector<512x16xi32>
    %broadcast_in_dim3A_344 = vector.broadcast %jit3A_341 : i32 to vector<512x16xi32>
    %select_n3A_345 = arith.select %eq3A_340, %broadcast_in_dim3A_343, %broadcast_in_dim3A_344 : vector<512x16xi1>, vector<512x16xi32>
    %add3A_346 = arith.addi %add3A_320, %select_n3A_345 : vector<512x16xi32>
    %jit3A_347 = arith.constant 0x7F800000 : f32
    %broadcast_in_dim3A_348 = vector.broadcast %jit3A_347 : f32 to vector<512x2048xf32>
    %select_n3A_349 = arith.select %eq3A_328, %broadcast_in_dim3A_348, %select_n3A_323 : vector<512x2048xi1>, vector<512x2048xf32>
    %reduce_min3A_350 = arith.constant dense<0x7F800000> : vector<512xf32>
    %reduce_min3A_351 = vector.multi_reduction <minimumf>, %select_n3A_349, %reduce_min3A_350 [1] : vector<512x2048xf32> to vector<512xf32>
    %broadcast_in_dim3A_352 = vector.shape_cast %reduce_min3A_351 : vector<512xf32> to vector<512x1xf32>
    %eq3A_353 = vector.broadcast %broadcast_in_dim3A_352 : vector<512x1xf32> to vector<512x2048xf32>
    %eq3A_354 = arith.cmpf oeq, %select_n3A_349, %eq3A_353 : vector<512x2048xf32>
    %jit3A_355 = arith.constant 0 : i32
    %broadcast_in_dim3A_356 = vector.broadcast %jit3A_355 : i32 to vector<512x2048xi32>
    %select_n3A_357 = arith.select %eq3A_354, %iota3A, %broadcast_in_dim3A_356 : vector<512x2048xi1>, vector<512x2048xi32>
    %reduce_sum3A_358 = arith.constant dense<0> : vector<512xi32>
    %reduce_sum3A_359 = vector.multi_reduction <add>, %select_n3A_357, %reduce_sum3A_358 [1] : vector<512x2048xi32> to vector<512xi32>
    %broadcast_in_dim3A_360 = vector.shape_cast %reduce_sum3A_359 : vector<512xi32> to vector<512x1xi32>
    %min3A_361 = arith.constant 2047 : i32
    %min3A_362 = vector.broadcast %min3A_361 : i32 to vector<512x1xi32>
    %min3A_363 = arith.minsi %broadcast_in_dim3A_360, %min3A_362 : vector<512x1xi32>
    %eq3A_364 = arith.constant 11 : i32
    %eq3A_365 = vector.broadcast %eq3A_364 : i32 to vector<512x16xi32>
    %eq3A_366 = arith.cmpi eq, %iota3A_59, %eq3A_365 : vector<512x16xi32>
    %jit3A_367 = arith.constant 0 : i32
    %broadcast_in_dim3A_368 = vector.shape_cast %min3A_363 : vector<512x1xi32> to vector<512x1xi32>
    %broadcast_in_dim3A_369 = vector.broadcast %broadcast_in_dim3A_368 : vector<512x1xi32> to vector<512x16xi32>
    %broadcast_in_dim3A_370 = vector.broadcast %jit3A_367 : i32 to vector<512x16xi32>
    %select_n3A_371 = arith.select %eq3A_366, %broadcast_in_dim3A_369, %broadcast_in_dim3A_370 : vector<512x16xi1>, vector<512x16xi32>
    %add3A_372 = arith.addi %add3A_346, %select_n3A_371 : vector<512x16xi32>
    %jit3A_373 = arith.constant 0x7F800000 : f32
    %broadcast_in_dim3A_374 = vector.broadcast %jit3A_373 : f32 to vector<512x2048xf32>
    %select_n3A_375 = arith.select %eq3A_354, %broadcast_in_dim3A_374, %select_n3A_349 : vector<512x2048xi1>, vector<512x2048xf32>
    %reduce_min3A_376 = arith.constant dense<0x7F800000> : vector<512xf32>
    %reduce_min3A_377 = vector.multi_reduction <minimumf>, %select_n3A_375, %reduce_min3A_376 [1] : vector<512x2048xf32> to vector<512xf32>
    %broadcast_in_dim3A_378 = vector.shape_cast %reduce_min3A_377 : vector<512xf32> to vector<512x1xf32>
    %eq3A_379 = vector.broadcast %broadcast_in_dim3A_378 : vector<512x1xf32> to vector<512x2048xf32>
    %eq3A_380 = arith.cmpf oeq, %select_n3A_375, %eq3A_379 : vector<512x2048xf32>
    %jit3A_381 = arith.constant 0 : i32
    %broadcast_in_dim3A_382 = vector.broadcast %jit3A_381 : i32 to vector<512x2048xi32>
    %select_n3A_383 = arith.select %eq3A_380, %iota3A, %broadcast_in_dim3A_382 : vector<512x2048xi1>, vector<512x2048xi32>
    %reduce_sum3A_384 = arith.constant dense<0> : vector<512xi32>
    %reduce_sum3A_385 = vector.multi_reduction <add>, %select_n3A_383, %reduce_sum3A_384 [1] : vector<512x2048xi32> to vector<512xi32>
    %broadcast_in_dim3A_386 = vector.shape_cast %reduce_sum3A_385 : vector<512xi32> to vector<512x1xi32>
    %min3A_387 = arith.constant 2047 : i32
    %min3A_388 = vector.broadcast %min3A_387 : i32 to vector<512x1xi32>
    %min3A_389 = arith.minsi %broadcast_in_dim3A_386, %min3A_388 : vector<512x1xi32>
    %eq3A_390 = arith.constant 12 : i32
    %eq3A_391 = vector.broadcast %eq3A_390 : i32 to vector<512x16xi32>
    %eq3A_392 = arith.cmpi eq, %iota3A_59, %eq3A_391 : vector<512x16xi32>
    %jit3A_393 = arith.constant 0 : i32
    %broadcast_in_dim3A_394 = vector.shape_cast %min3A_389 : vector<512x1xi32> to vector<512x1xi32>
    %broadcast_in_dim3A_395 = vector.broadcast %broadcast_in_dim3A_394 : vector<512x1xi32> to vector<512x16xi32>
    %broadcast_in_dim3A_396 = vector.broadcast %jit3A_393 : i32 to vector<512x16xi32>
    %select_n3A_397 = arith.select %eq3A_392, %broadcast_in_dim3A_395, %broadcast_in_dim3A_396 : vector<512x16xi1>, vector<512x16xi32>
    %add3A_398 = arith.addi %add3A_372, %select_n3A_397 : vector<512x16xi32>
    %jit3A_399 = arith.constant 0x7F800000 : f32
    %broadcast_in_dim3A_400 = vector.broadcast %jit3A_399 : f32 to vector<512x2048xf32>
    %select_n3A_401 = arith.select %eq3A_380, %broadcast_in_dim3A_400, %select_n3A_375 : vector<512x2048xi1>, vector<512x2048xf32>
    %reduce_min3A_402 = arith.constant dense<0x7F800000> : vector<512xf32>
    %reduce_min3A_403 = vector.multi_reduction <minimumf>, %select_n3A_401, %reduce_min3A_402 [1] : vector<512x2048xf32> to vector<512xf32>
    %broadcast_in_dim3A_404 = vector.shape_cast %reduce_min3A_403 : vector<512xf32> to vector<512x1xf32>
    %eq3A_405 = vector.broadcast %broadcast_in_dim3A_404 : vector<512x1xf32> to vector<512x2048xf32>
    %eq3A_406 = arith.cmpf oeq, %select_n3A_401, %eq3A_405 : vector<512x2048xf32>
    %jit3A_407 = arith.constant 0 : i32
    %broadcast_in_dim3A_408 = vector.broadcast %jit3A_407 : i32 to vector<512x2048xi32>
    %select_n3A_409 = arith.select %eq3A_406, %iota3A, %broadcast_in_dim3A_408 : vector<512x2048xi1>, vector<512x2048xi32>
    %reduce_sum3A_410 = arith.constant dense<0> : vector<512xi32>
    %reduce_sum3A_411 = vector.multi_reduction <add>, %select_n3A_409, %reduce_sum3A_410 [1] : vector<512x2048xi32> to vector<512xi32>
    %broadcast_in_dim3A_412 = vector.shape_cast %reduce_sum3A_411 : vector<512xi32> to vector<512x1xi32>
    %min3A_413 = arith.constant 2047 : i32
    %min3A_414 = vector.broadcast %min3A_413 : i32 to vector<512x1xi32>
    %min3A_415 = arith.minsi %broadcast_in_dim3A_412, %min3A_414 : vector<512x1xi32>
    %eq3A_416 = arith.constant 13 : i32
    %eq3A_417 = vector.broadcast %eq3A_416 : i32 to vector<512x16xi32>
    %eq3A_418 = arith.cmpi eq, %iota3A_59, %eq3A_417 : vector<512x16xi32>
    %jit3A_419 = arith.constant 0 : i32
    %broadcast_in_dim3A_420 = vector.shape_cast %min3A_415 : vector<512x1xi32> to vector<512x1xi32>
    %broadcast_in_dim3A_421 = vector.broadcast %broadcast_in_dim3A_420 : vector<512x1xi32> to vector<512x16xi32>
    %broadcast_in_dim3A_422 = vector.broadcast %jit3A_419 : i32 to vector<512x16xi32>
    %select_n3A_423 = arith.select %eq3A_418, %broadcast_in_dim3A_421, %broadcast_in_dim3A_422 : vector<512x16xi1>, vector<512x16xi32>
    %add3A_424 = arith.addi %add3A_398, %select_n3A_423 : vector<512x16xi32>
    %jit3A_425 = arith.constant 0x7F800000 : f32
    %broadcast_in_dim3A_426 = vector.broadcast %jit3A_425 : f32 to vector<512x2048xf32>
    %select_n3A_427 = arith.select %eq3A_406, %broadcast_in_dim3A_426, %select_n3A_401 : vector<512x2048xi1>, vector<512x2048xf32>
    %reduce_min3A_428 = arith.constant dense<0x7F800000> : vector<512xf32>
    %reduce_min3A_429 = vector.multi_reduction <minimumf>, %select_n3A_427, %reduce_min3A_428 [1] : vector<512x2048xf32> to vector<512xf32>
    %broadcast_in_dim3A_430 = vector.shape_cast %reduce_min3A_429 : vector<512xf32> to vector<512x1xf32>
    %eq3A_431 = vector.broadcast %broadcast_in_dim3A_430 : vector<512x1xf32> to vector<512x2048xf32>
    %eq3A_432 = arith.cmpf oeq, %select_n3A_427, %eq3A_431 : vector<512x2048xf32>
    %jit3A_433 = arith.constant 0 : i32
    %broadcast_in_dim3A_434 = vector.broadcast %jit3A_433 : i32 to vector<512x2048xi32>
    %select_n3A_435 = arith.select %eq3A_432, %iota3A, %broadcast_in_dim3A_434 : vector<512x2048xi1>, vector<512x2048xi32>
    %reduce_sum3A_436 = arith.constant dense<0> : vector<512xi32>
    %reduce_sum3A_437 = vector.multi_reduction <add>, %select_n3A_435, %reduce_sum3A_436 [1] : vector<512x2048xi32> to vector<512xi32>
    %broadcast_in_dim3A_438 = vector.shape_cast %reduce_sum3A_437 : vector<512xi32> to vector<512x1xi32>
    %min3A_439 = arith.constant 2047 : i32
    %min3A_440 = vector.broadcast %min3A_439 : i32 to vector<512x1xi32>
    %min3A_441 = arith.minsi %broadcast_in_dim3A_438, %min3A_440 : vector<512x1xi32>
    %eq3A_442 = arith.constant 14 : i32
    %eq3A_443 = vector.broadcast %eq3A_442 : i32 to vector<512x16xi32>
    %eq3A_444 = arith.cmpi eq, %iota3A_59, %eq3A_443 : vector<512x16xi32>
    %jit3A_445 = arith.constant 0 : i32
    %broadcast_in_dim3A_446 = vector.shape_cast %min3A_441 : vector<512x1xi32> to vector<512x1xi32>
    %broadcast_in_dim3A_447 = vector.broadcast %broadcast_in_dim3A_446 : vector<512x1xi32> to vector<512x16xi32>
    %broadcast_in_dim3A_448 = vector.broadcast %jit3A_445 : i32 to vector<512x16xi32>
    %select_n3A_449 = arith.select %eq3A_444, %broadcast_in_dim3A_447, %broadcast_in_dim3A_448 : vector<512x16xi1>, vector<512x16xi32>
    %add3A_450 = arith.addi %add3A_424, %select_n3A_449 : vector<512x16xi32>
    %jit3A_451 = arith.constant 0x7F800000 : f32
    %broadcast_in_dim3A_452 = vector.broadcast %jit3A_451 : f32 to vector<512x2048xf32>
    %select_n3A_453 = arith.select %eq3A_432, %broadcast_in_dim3A_452, %select_n3A_427 : vector<512x2048xi1>, vector<512x2048xf32>
    %reduce_min3A_454 = arith.constant dense<0x7F800000> : vector<512xf32>
    %reduce_min3A_455 = vector.multi_reduction <minimumf>, %select_n3A_453, %reduce_min3A_454 [1] : vector<512x2048xf32> to vector<512xf32>
    %broadcast_in_dim3A_456 = vector.shape_cast %reduce_min3A_455 : vector<512xf32> to vector<512x1xf32>
    %eq3A_457 = vector.broadcast %broadcast_in_dim3A_456 : vector<512x1xf32> to vector<512x2048xf32>
    %eq3A_458 = arith.cmpf oeq, %select_n3A_453, %eq3A_457 : vector<512x2048xf32>
    %jit3A_459 = arith.constant 0 : i32
    %broadcast_in_dim3A_460 = vector.broadcast %jit3A_459 : i32 to vector<512x2048xi32>
    %select_n3A_461 = arith.select %eq3A_458, %iota3A, %broadcast_in_dim3A_460 : vector<512x2048xi1>, vector<512x2048xi32>
    %reduce_sum3A_462 = arith.constant dense<0> : vector<512xi32>
    %reduce_sum3A_463 = vector.multi_reduction <add>, %select_n3A_461, %reduce_sum3A_462 [1] : vector<512x2048xi32> to vector<512xi32>
    %broadcast_in_dim3A_464 = vector.shape_cast %reduce_sum3A_463 : vector<512xi32> to vector<512x1xi32>
    %min3A_465 = arith.constant 2047 : i32
    %min3A_466 = vector.broadcast %min3A_465 : i32 to vector<512x1xi32>
    %min3A_467 = arith.minsi %broadcast_in_dim3A_464, %min3A_466 : vector<512x1xi32>
    %eq3A_468 = arith.constant 15 : i32
    %eq3A_469 = vector.broadcast %eq3A_468 : i32 to vector<512x16xi32>
    %eq3A_470 = arith.cmpi eq, %iota3A_59, %eq3A_469 : vector<512x16xi32>
    %jit3A_471 = arith.constant 0 : i32
    %broadcast_in_dim3A_472 = vector.shape_cast %min3A_467 : vector<512x1xi32> to vector<512x1xi32>
    %broadcast_in_dim3A_473 = vector.broadcast %broadcast_in_dim3A_472 : vector<512x1xi32> to vector<512x16xi32>
    %broadcast_in_dim3A_474 = vector.broadcast %jit3A_471 : i32 to vector<512x16xi32>
    %select_n3A_475 = arith.select %eq3A_470, %broadcast_in_dim3A_473, %broadcast_in_dim3A_474 : vector<512x16xi1>, vector<512x16xi32>
    %add3A_476 = arith.addi %add3A_450, %select_n3A_475 : vector<512x16xi32>
    %mul3A_477 = arith.constant 2048 : i32
    %mul3A_478 = arith.muli %arg0, %mul3A_477 : i32
    %add3A_479 = vector.broadcast %mul3A_478 : i32 to vector<512x16xi32>
    %add3A_480 = arith.addi %add3A_476, %add3A_479 : vector<512x16xi32>
    %swap3A_481 = arith.constant 0 : index
    %swap3A_482 = arith.constant 0 : index
    %swap3A_483 = arith.constant 0 : index
    %swap3A_484 = vector.load %arg10[%swap3A_481, %swap3A_482, %swap3A_483] : memref<1x512x16xi32, #tpu.memory_space<vmem>>, vector<1x512x16xi32>
    %swap3A_485 = vector.shape_cast %swap3A_484 : vector<1x512x16xi32> to vector<512x16xi32>
    %swap3A_486 = vector.shape_cast %add3A_480 : vector<512x16xi32> to vector<1x512x16xi32>
    tpu.vector_store %arg10[%swap3A_481, %swap3A_482, %swap3A_483], %swap3A_486 {strides = array<i32>} : memref<1x512x16xi32, #tpu.memory_space<vmem>>, vector<1x512x16xi32>,
    return
  }
  func.func @transform_0(%arg0: i32, %arg1: i32) -> (i32, i32, i32) {
    %c0_i32 = arith.constant 0 : i32
    %c0_i32_0 = arith.constant 0 : i32
    return %arg0, %arg1, %c0_i32 : i32, i32, i32
  }
  func.func @transform_1(%arg0: i32, %arg1: i32) -> (i32, i32, i32) {
    %c0_i32 = arith.constant 0 : i32
    %c0_i32_0 = arith.constant 0 : i32
    %c0_i32_1 = arith.constant 0 : i32
    return %arg0, %c0_i32, %c0_i32_0 : i32, i32, i32
  }
  func.func @transform_2(%arg0: i32, %arg1: i32) -> (i32, i32, i32) {
    %c0_i32 = arith.constant 0 : i32
    %c0_i32_0 = arith.constant 0 : i32
    return %arg0, %arg1, %c0_i32 : i32, i32, i32
  }
  func.func @transform_3(%arg0: i32, %arg1: i32) -> (i32, i32) {
    %c0_i32 = arith.constant 0 : i32
    %c0_i32_0 = arith.constant 0 : i32
    %c0_i32_1 = arith.constant 0 : i32
    return %c0_i32, %c0_i32_0 : i32, i32
  }
  func.func @transform_4(%arg0: i32, %arg1: i32) -> (i32, i32) {
    %c0_i32 = arith.constant 0 : i32
    %c0_i32_0 = arith.constant 0 : i32
    %c0_i32_1 = arith.constant 0 : i32
    return %c0_i32, %c0_i32_0 : i32, i32
  }
  func.func @transform_5(%arg0: i32, %arg1: i32) -> (i32, i32) {
    %c0_i32 = arith.constant 0 : i32
    %c0_i32_0 = arith.constant 0 : i32
    %c0_i32_1 = arith.constant 0 : i32
    return %c0_i32, %c0_i32_0 : i32, i32
  }
  func.func @transform_6(%arg0: i32, %arg1: i32) -> (i32, i32) {
    %c0_i32 = arith.constant 0 : i32
    %c0_i32_0 = arith.constant 0 : i32
    %c0_i32_1 = arith.constant 0 : i32
    return %c0_i32, %c0_i32_0 : i32, i32
  }
  func.func @transform_7(%arg0: i32, %arg1: i32) -> (i32, i32) {
    %c0_i32 = arith.constant 0 : i32
    %c0_i32_0 = arith.constant 0 : i32
    %c0_i32_1 = arith.constant 0 : i32
    return %c0_i32, %c0_i32_0 : i32, i32
  }
  func.func @transform_8(%arg0: i32, %arg1: i32) -> (i32, i32, i32) {
    %c0_i32 = arith.constant 0 : i32
    %c0_i32_0 = arith.constant 0 : i32
    return %arg0, %arg1, %c0_i32 : i32, i32, i32
  }
  func.func @transform_9(%arg0: i32, %arg1: i32) -> (i32, i32, i32) {
    %c0_i32 = arith.constant 0 : i32
    %c0_i32_0 = arith.constant 0 : i32
    return %arg0, %arg1, %c0_i32 : i32, i32, i32
  }
}

module attributes {stable_mosaic.version = 14 : i64} {
  func.func @_attn_body(%arg0: i32, %arg1: i32, %arg2: memref<1x16x256x128xf32, #tpu.memory_space<vmem>>, %arg3: memref<1x256x32xf32, #tpu.memory_space<vmem>>, %arg4: memref<1x256x3xf32, #tpu.memory_space<vmem>>, %arg5: memref<32x32xf32, #tpu.memory_space<vmem>>, %arg6: memref<1x32xf32, #tpu.memory_space<vmem>>, %arg7: memref<3x64xf32, #tpu.memory_space<vmem>>, %arg8: memref<1x1x64xf32, #tpu.memory_space<vmem>>, %arg9: memref<64x32xf32, #tpu.memory_space<vmem>>, %arg10: memref<1x32xf32, #tpu.memory_space<vmem>>, %arg11: memref<32x8xf32, #tpu.memory_space<vmem>>, %arg12: memref<1x8xf32, #tpu.memory_space<vmem>>, %arg13: memref<8x32xf32, #tpu.memory_space<vmem>>, %arg14: memref<1x32xf32, #tpu.memory_space<vmem>>, %arg15: memref<1x256x32xf32, #tpu.memory_space<vmem>>) attributes {dimension_semantics = [#tpu.dimension_semantics<arbitrary>, #tpu.dimension_semantics<arbitrary>], iteration_bounds = array<i64: 8, 8>, scalar_prefetch = 0 : i64, scratch_operands = 0 : i64, tpu.core_type = #tpu.core_type<tc>, window_params = [{transform_indices = @transform_0, window_bounds = array<i64: 1, 16, 256, 128>}, {transform_indices = @transform_1, window_bounds = array<i64: 1, 256, 32>}, {transform_indices = @transform_2, window_bounds = array<i64: 1, 256, 3>}, {pipeline_mode = #tpu.pipeline_mode<synchronous>, transform_indices = @transform_3, window_bounds = array<i64: 32, 32>}, {pipeline_mode = #tpu.pipeline_mode<synchronous>, transform_indices = @transform_4, window_bounds = array<i64: 1, 32>}, {pipeline_mode = #tpu.pipeline_mode<synchronous>, transform_indices = @transform_5, window_bounds = array<i64: 3, 64>}, {pipeline_mode = #tpu.pipeline_mode<synchronous>, transform_indices = @transform_6, window_bounds = array<i64: 1, 1, 64>}, {pipeline_mode = #tpu.pipeline_mode<synchronous>, transform_indices = @transform_7, window_bounds = array<i64: 64, 32>}, {pipeline_mode = #tpu.pipeline_mode<synchronous>, transform_indices = @transform_8, window_bounds = array<i64: 1, 32>}, {pipeline_mode = #tpu.pipeline_mode<synchronous>, transform_indices = @transform_9, window_bounds = array<i64: 32, 8>}, {pipeline_mode = #tpu.pipeline_mode<synchronous>, transform_indices = @transform_10, window_bounds = array<i64: 1, 8>}, {pipeline_mode = #tpu.pipeline_mode<synchronous>, transform_indices = @transform_11, window_bounds = array<i64: 8, 32>}, {pipeline_mode = #tpu.pipeline_mode<synchronous>, transform_indices = @transform_12, window_bounds = array<i64: 1, 32>}, {transform_indices = @transform_13, window_bounds = array<i64: 1, 256, 32>}]} {
    %get3A = arith.constant 0 : index
    %get3A_0 = arith.constant 0 : index
    %get3A_1 = arith.constant 0 : index
    %get3A_2 = arith.constant 0 : index
    %get3A_3 = vector.load %arg2[%get3A, %get3A_0, %get3A_1, %get3A_2] : memref<1x16x256x128xf32, #tpu.memory_space<vmem>>, vector<1x16x256x128xf32>
    %get3A_4 = vector.shape_cast %get3A_3 : vector<1x16x256x128xf32> to vector<16x256x128xf32>
    %slice3A = vector.extract_strided_slice %get3A_4 {offsets = [0, 0, 0], sizes = [16, 256, 64], strides = [1, 1, 1]} : vector<16x256x128xf32> to vector<16x256x64xf32>
    %slice3A_5 = vector.extract_strided_slice %get3A_4 {offsets = [0, 0, 64], sizes = [16, 256, 32], strides = [1, 1, 1]} : vector<16x256x128xf32> to vector<16x256x32xf32>
    %slice3A_6 = vector.extract_strided_slice %get3A_4 {offsets = [0, 0, 96], sizes = [16, 256, 32], strides = [1, 1, 1]} : vector<16x256x128xf32> to vector<16x256x32xf32>
    %get3A_7 = arith.constant 0 : index
    %get3A_8 = arith.constant 0 : index
    %get3A_9 = arith.constant 0 : index
    %get3A_10 = vector.load %arg3[%get3A_7, %get3A_8, %get3A_9] : memref<1x256x32xf32, #tpu.memory_space<vmem>>, vector<1x256x32xf32>
    %get3A_11 = vector.shape_cast %get3A_10 : vector<1x256x32xf32> to vector<256x32xf32>
    %get3A_12 = arith.constant 0 : index
    %get3A_13 = arith.constant 0 : index
    %get3A_14 = arith.constant 0 : index
    %get3A_15 = vector.load %arg4[%get3A_12, %get3A_13, %get3A_14] : memref<1x256x3xf32, #tpu.memory_space<vmem>>, vector<1x256x3xf32>
    %get3A_16 = vector.shape_cast %get3A_15 : vector<1x256x3xf32> to vector<256x3xf32>
    %get3A_17 = arith.constant 0 : index
    %get3A_18 = arith.constant 0 : index
    %get3A_19 = vector.load %arg7[%get3A_17, %get3A_18] : memref<3x64xf32, #tpu.memory_space<vmem>>, vector<3x64xf32>
    %dot_general3A = arith.constant dense<0.000000e+00> : vector<256x64xf32>
    %dot_general3A_20 = tpu.matmul %get3A_16, %get3A_19, %dot_general3A {dimension_numbers = #tpu.dot_dimension_numbers<[1], [0], [0], [1], [0, 0, 1, 1], [], []>, transpose_lhs_hint = false} : vector<256x3xf32>, vector<3x64xf32>, vector<256x64xf32> -> vector<256x64xf32>
    %broadcast_in_dim3A = vector.shape_cast %dot_general3A_20 : vector<256x64xf32> to vector<1x256x64xf32>
    %sub3A = vector.broadcast %broadcast_in_dim3A : vector<1x256x64xf32> to vector<16x256x64xf32>
    %sub3A_21 = arith.subf %sub3A, %slice3A : vector<16x256x64xf32>
    %get3A_22 = arith.constant 0 : index
    %get3A_23 = arith.constant 0 : index
    %get3A_24 = arith.constant 0 : index
    %get3A_25 = vector.load %arg8[%get3A_22, %get3A_23, %get3A_24] : memref<1x1x64xf32, #tpu.memory_space<vmem>>, vector<1x1x64xf32>
    %add3A = vector.broadcast %get3A_25 : vector<1x1x64xf32> to vector<16x256x64xf32>
    %add3A_26 = arith.addf %sub3A_21, %add3A : vector<16x256x64xf32>
    %max3A = arith.constant 0.000000e+00 : f32
    %max3A_27 = vector.broadcast %max3A : f32 to vector<16x256x64xf32>
    %max3A_28 = arith.maximumf %add3A_26, %max3A_27 : vector<16x256x64xf32>
    %reshape3A = vector.shape_cast %max3A_28 : vector<16x256x64xf32> to vector<4096x64xf32>
    %get3A_29 = arith.constant 0 : index
    %get3A_30 = arith.constant 0 : index
    %get3A_31 = vector.load %arg9[%get3A_29, %get3A_30] : memref<64x32xf32, #tpu.memory_space<vmem>>, vector<64x32xf32>
    %dot_general3A_32 = arith.constant dense<0.000000e+00> : vector<4096x32xf32>
    %dot_general3A_33 = tpu.matmul %reshape3A, %get3A_31, %dot_general3A_32 {dimension_numbers = #tpu.dot_dimension_numbers<[1], [0], [0], [1], [0, 0, 1, 1], [], []>, transpose_lhs_hint = false} : vector<4096x64xf32>, vector<64x32xf32>, vector<4096x32xf32> -> vector<4096x32xf32>
    %get3A_34 = arith.constant 0 : index
    %get3A_35 = arith.constant 0 : index
    %get3A_36 = vector.load %arg10[%get3A_34, %get3A_35] : memref<1x32xf32, #tpu.memory_space<vmem>>, vector<1x32xf32>
    %add3A_37 = vector.broadcast %get3A_36 : vector<1x32xf32> to vector<4096x32xf32>
    %add3A_38 = arith.addf %dot_general3A_33, %add3A_37 : vector<4096x32xf32>
    %reshape3A_39 = vector.shape_cast %add3A_38 : vector<4096x32xf32> to vector<16x256x32xf32>
    %get3A_40 = arith.constant 0 : index
    %get3A_41 = arith.constant 0 : index
    %get3A_42 = vector.load %arg5[%get3A_40, %get3A_41] : memref<32x32xf32, #tpu.memory_space<vmem>>, vector<32x32xf32>
    %dot_general3A_43 = arith.constant dense<0.000000e+00> : vector<256x32xf32>
    %dot_general3A_44 = tpu.matmul %get3A_11, %get3A_42, %dot_general3A_43 {dimension_numbers = #tpu.dot_dimension_numbers<[1], [0], [0], [1], [0, 0, 1, 1], [], []>, transpose_lhs_hint = false} : vector<256x32xf32>, vector<32x32xf32>, vector<256x32xf32> -> vector<256x32xf32>
    %get3A_45 = arith.constant 0 : index
    %get3A_46 = arith.constant 0 : index
    %get3A_47 = vector.load %arg6[%get3A_45, %get3A_46] : memref<1x32xf32, #tpu.memory_space<vmem>>, vector<1x32xf32>
    %add3A_48 = vector.broadcast %get3A_47 : vector<1x32xf32> to vector<256x32xf32>
    %add3A_49 = arith.addf %dot_general3A_44, %add3A_48 : vector<256x32xf32>
    %broadcast_in_dim3A_50 = vector.shape_cast %add3A_49 : vector<256x32xf32> to vector<1x256x32xf32>
    %sub3A_51 = vector.broadcast %broadcast_in_dim3A_50 : vector<1x256x32xf32> to vector<16x256x32xf32>
    %sub3A_52 = arith.subf %sub3A_51, %slice3A_5 : vector<16x256x32xf32>
    %add3A_53 = arith.addf %sub3A_52, %reshape3A_39 : vector<16x256x32xf32>
    %reshape3A_54 = vector.shape_cast %add3A_53 : vector<16x256x32xf32> to vector<4096x32xf32>
    %get3A_55 = arith.constant 0 : index
    %get3A_56 = arith.constant 0 : index
    %get3A_57 = vector.load %arg11[%get3A_55, %get3A_56] : memref<32x8xf32, #tpu.memory_space<vmem>>, vector<32x8xf32>
    %dot_general3A_58 = arith.constant dense<0.000000e+00> : vector<4096x8xf32>
    %dot_general3A_59 = tpu.matmul %reshape3A_54, %get3A_57, %dot_general3A_58 {dimension_numbers = #tpu.dot_dimension_numbers<[1], [0], [0], [1], [0, 0, 1, 1], [], []>, transpose_lhs_hint = false} : vector<4096x32xf32>, vector<32x8xf32>, vector<4096x8xf32> -> vector<4096x8xf32>
    %get3A_60 = arith.constant 0 : index
    %get3A_61 = arith.constant 0 : index
    %get3A_62 = vector.load %arg12[%get3A_60, %get3A_61] : memref<1x8xf32, #tpu.memory_space<vmem>>, vector<1x8xf32>
    %add3A_63 = vector.broadcast %get3A_62 : vector<1x8xf32> to vector<4096x8xf32>
    %add3A_64 = arith.addf %dot_general3A_59, %add3A_63 : vector<4096x8xf32>
    %max3A_65 = arith.constant 0.000000e+00 : f32
    %max3A_66 = vector.broadcast %max3A_65 : f32 to vector<4096x8xf32>
    %max3A_67 = arith.maximumf %add3A_64, %max3A_66 : vector<4096x8xf32>
    %get3A_68 = arith.constant 0 : index
    %get3A_69 = arith.constant 0 : index
    %get3A_70 = vector.load %arg13[%get3A_68, %get3A_69] : memref<8x32xf32, #tpu.memory_space<vmem>>, vector<8x32xf32>
    %dot_general3A_71 = arith.constant dense<0.000000e+00> : vector<4096x32xf32>
    %dot_general3A_72 = tpu.matmul %max3A_67, %get3A_70, %dot_general3A_71 {dimension_numbers = #tpu.dot_dimension_numbers<[1], [0], [0], [1], [0, 0, 1, 1], [], []>, transpose_lhs_hint = false} : vector<4096x8xf32>, vector<8x32xf32>, vector<4096x32xf32> -> vector<4096x32xf32>
    %get3A_73 = arith.constant 0 : index
    %get3A_74 = arith.constant 0 : index
    %get3A_75 = vector.load %arg14[%get3A_73, %get3A_74] : memref<1x32xf32, #tpu.memory_space<vmem>>, vector<1x32xf32>
    %add3A_76 = vector.broadcast %get3A_75 : vector<1x32xf32> to vector<4096x32xf32>
    %add3A_77 = arith.addf %dot_general3A_72, %add3A_76 : vector<4096x32xf32>
    %reshape3A_78 = vector.shape_cast %add3A_77 : vector<4096x32xf32> to vector<16x256x32xf32>
    %reduce_max3A = arith.constant dense<0xFF800000> : vector<256x32xf32>
    %reduce_max3A_79 = vector.multi_reduction <maximumf>, %reshape3A_78, %reduce_max3A [0] : vector<16x256x32xf32> to vector<256x32xf32>
    %broadcast_in_dim3A_80 = vector.shape_cast %reduce_max3A_79 : vector<256x32xf32> to vector<1x256x32xf32>
    %sub3A_81 = vector.broadcast %broadcast_in_dim3A_80 : vector<1x256x32xf32> to vector<16x256x32xf32>
    %sub3A_82 = arith.subf %reshape3A_78, %sub3A_81 : vector<16x256x32xf32>
    %exp3A = math.exp %sub3A_82 : vector<16x256x32xf32>
    %reduce_sum3A = arith.constant dense<0.000000e+00> : vector<256x32xf32>
    %reduce_sum3A_83 = vector.multi_reduction <add>, %exp3A, %reduce_sum3A [0] : vector<16x256x32xf32> to vector<256x32xf32>
    %broadcast_in_dim3A_84 = vector.shape_cast %reduce_sum3A_83 : vector<256x32xf32> to vector<1x256x32xf32>
    %div3A = arith.constant 1.000000e+00 : f32
    %div3A_85 = vector.broadcast %div3A : f32 to vector<1x256x32xf32>
    %div3A_86 = arith.divf %div3A_85, %broadcast_in_dim3A_84 : vector<1x256x32xf32>
    %mul3A = vector.broadcast %div3A_86 : vector<1x256x32xf32> to vector<16x256x32xf32>
    %mul3A_87 = arith.mulf %exp3A, %mul3A : vector<16x256x32xf32>
    %add3A_88 = arith.addf %reshape3A_39, %slice3A_6 : vector<16x256x32xf32>
    %mul3A_89 = arith.mulf %mul3A_87, %add3A_88 : vector<16x256x32xf32>
    %reduce_sum3A_90 = arith.constant dense<0.000000e+00> : vector<256x32xf32>
    %reduce_sum3A_91 = vector.multi_reduction <add>, %mul3A_89, %reduce_sum3A_90 [0] : vector<16x256x32xf32> to vector<256x32xf32>
    %swap3A = arith.constant 0 : index
    %swap3A_92 = arith.constant 0 : index
    %swap3A_93 = arith.constant 0 : index
    %swap3A_94 = vector.load %arg15[%swap3A, %swap3A_92, %swap3A_93] : memref<1x256x32xf32, #tpu.memory_space<vmem>>, vector<1x256x32xf32>
    %swap3A_95 = vector.shape_cast %swap3A_94 : vector<1x256x32xf32> to vector<256x32xf32>
    %swap3A_96 = vector.shape_cast %reduce_sum3A_91 : vector<256x32xf32> to vector<1x256x32xf32>
    tpu.vector_store %arg15[%swap3A, %swap3A_92, %swap3A_93], %swap3A_96 {strides = array<i32>} : memref<1x256x32xf32, #tpu.memory_space<vmem>>, vector<1x256x32xf32>,
    return
  }
  func.func @transform_0(%arg0: i32, %arg1: i32) -> (i32, i32, i32, i32) {
    %c0_i32 = arith.constant 0 : i32
    %c0_i32_0 = arith.constant 0 : i32
    %c0_i32_1 = arith.constant 0 : i32
    return %arg0, %c0_i32, %arg1, %c0_i32_0 : i32, i32, i32, i32
  }
  func.func @transform_1(%arg0: i32, %arg1: i32) -> (i32, i32, i32) {
    %c0_i32 = arith.constant 0 : i32
    %c0_i32_0 = arith.constant 0 : i32
    return %arg0, %arg1, %c0_i32 : i32, i32, i32
  }
  func.func @transform_2(%arg0: i32, %arg1: i32) -> (i32, i32, i32) {
    %c0_i32 = arith.constant 0 : i32
    %c0_i32_0 = arith.constant 0 : i32
    return %arg0, %arg1, %c0_i32 : i32, i32, i32
  }
  func.func @transform_3(%arg0: i32, %arg1: i32) -> (i32, i32) {
    %c0_i32 = arith.constant 0 : i32
    %c0_i32_0 = arith.constant 0 : i32
    %c0_i32_1 = arith.constant 0 : i32
    return %c0_i32, %c0_i32_0 : i32, i32
  }
  func.func @transform_4(%arg0: i32, %arg1: i32) -> (i32, i32) {
    %c0_i32 = arith.constant 0 : i32
    %c0_i32_0 = arith.constant 0 : i32
    %c0_i32_1 = arith.constant 0 : i32
    return %c0_i32, %c0_i32_0 : i32, i32
  }
  func.func @transform_5(%arg0: i32, %arg1: i32) -> (i32, i32) {
    %c0_i32 = arith.constant 0 : i32
    %c0_i32_0 = arith.constant 0 : i32
    %c0_i32_1 = arith.constant 0 : i32
    return %c0_i32, %c0_i32_0 : i32, i32
  }
  func.func @transform_6(%arg0: i32, %arg1: i32) -> (i32, i32, i32) {
    %c0_i32 = arith.constant 0 : i32
    %c0_i32_0 = arith.constant 0 : i32
    %c0_i32_1 = arith.constant 0 : i32
    %c0_i32_2 = arith.constant 0 : i32
    return %c0_i32, %c0_i32_0, %c0_i32_1 : i32, i32, i32
  }
  func.func @transform_7(%arg0: i32, %arg1: i32) -> (i32, i32) {
    %c0_i32 = arith.constant 0 : i32
    %c0_i32_0 = arith.constant 0 : i32
    %c0_i32_1 = arith.constant 0 : i32
    return %c0_i32, %c0_i32_0 : i32, i32
  }
  func.func @transform_8(%arg0: i32, %arg1: i32) -> (i32, i32) {
    %c0_i32 = arith.constant 0 : i32
    %c0_i32_0 = arith.constant 0 : i32
    %c0_i32_1 = arith.constant 0 : i32
    return %c0_i32, %c0_i32_0 : i32, i32
  }
  func.func @transform_9(%arg0: i32, %arg1: i32) -> (i32, i32) {
    %c0_i32 = arith.constant 0 : i32
    %c0_i32_0 = arith.constant 0 : i32
    %c0_i32_1 = arith.constant 0 : i32
    return %c0_i32, %c0_i32_0 : i32, i32
  }
  func.func @transform_10(%arg0: i32, %arg1: i32) -> (i32, i32) {
    %c0_i32 = arith.constant 0 : i32
    %c0_i32_0 = arith.constant 0 : i32
    %c0_i32_1 = arith.constant 0 : i32
    return %c0_i32, %c0_i32_0 : i32, i32
  }
  func.func @transform_11(%arg0: i32, %arg1: i32) -> (i32, i32) {
    %c0_i32 = arith.constant 0 : i32
    %c0_i32_0 = arith.constant 0 : i32
    %c0_i32_1 = arith.constant 0 : i32
    return %c0_i32, %c0_i32_0 : i32, i32
  }
  func.func @transform_12(%arg0: i32, %arg1: i32) -> (i32, i32) {
    %c0_i32 = arith.constant 0 : i32
    %c0_i32_0 = arith.constant 0 : i32
    %c0_i32_1 = arith.constant 0 : i32
    return %c0_i32, %c0_i32_0 : i32, i32
  }
  func.func @transform_13(%arg0: i32, %arg1: i32) -> (i32, i32, i32) {
    %c0_i32 = arith.constant 0 : i32
    %c0_i32_0 = arith.constant 0 : i32
    return %arg0, %arg1, %c0_i32 : i32, i32, i32
  }
}

</mosaic_0001>

<sc_bundles>
// kernel: kernel.5.cloned.1.call-start
scs
__scs_entry_jumppad:
0x0: {  	(pc) =	sbr.rel $0x88, $3  }
0x1: {  	(tag) =	ssettag $0x0;
	lr =	simm.s32 $0x1  }
0x2: {  	[smem:$0x3F91] =	sst lr;
	_ =	strace $0xD0000000  }
0x3: {  	_ = 	snop  }
0x4: {  	_ = 	snop  }
0x5: {  	_ = 	snop  }
0x6: {  	_ = 	snop  }
0x7: {  	_ = 	snop  }
__scs_overlays_trampoline_lowered:
0x8: {  	[smem:$0x3FA0] =	sst s0  }
0x9: {  	[smem:$0x3FA1] =	sst s1  }
0xa: {  	[smem:$0x3FA2] =	sst s2  }
0xb: {  	[smem:$0x3FA3] =	sst s3  }
0xc: {  	[smem:$0x3FA4] =	sst s4  }
0xd: {  	[smem:$0x3FA5] =	sst s5  }
0xe: {  	[smem:$0x3FA6] =	sst s6  }
0xf: {  	[smem:$0x3FA7] =	sst s7  }
0x10: {  	[smem:$0x3FA8] =	sst s8  }
0x11: {  	[smem:$0x3FA9] =	sst s9;
	s0 =	simm.s32 @!p0 $0x0  }
0x12: {  	s1 =	sld [smem:$0x3F8F];
	s0 =	simm.s32 @p0 $0x1  }
0x13: {  	[smem:$0x3FAA] =	sst s0;
	s0 =	simm.s32 @!p1 $0x0  }
0x14: {  	s2 =	sld [smem:$0x3F8E];
	s0 =	simm.s32 @p1 $0x1  }
0x15: {  	[smem:$0x3FAB] =	sst s0;
	s0 =	simm.s32 @!p2 $0x0  }
0x16: {  	s3 =	sld [smem:$0x3FDB];
	s0 =	simm.s32 @p2 $0x1  }
0x17: {  	s4 =	simm.s32 $0x1BF5;
	[smem:$0x3FAD] =	sst s0  }
0x18: {  	s0 =	sld [smem:$0x3F90];
	_ =	swait.ge [sflag:s4], $0x0  }
0x19: {  	s7 =	sld [smem:$0x3F91]  }
0x1a: {  	s8 =	sadd.s32 $0xFFFFE003, lr  }
0x1b: {  	s9 =	sadd.s32 $0xFFFFFEF7, lr;
	s5 =	simm.s32 $0xFFFFFFFF;
	p2 =	slt.u32 s8, $0xFFFFF086  }
0x1c: {  	p1 =	slt.u32 s9, $0xF7A;
	s5 =	simm.s32 @!p2 $0x0  }
0x1d: {  	s5 =	simm.s32 @p1 $0x1;
	p0 =	seq.s32 s7, s2  }
0x1e: {  	s7 =	smul.u32 @!p0 $0xF7A, s2;
	p2 =	seq.s32 @!p0 s5, $0x0  }
0x1f: {  	s9 =	smul.u32 $0xF7A, s1;
	s8 =	simm.s32 @!p0 $0x1BF5;
	p2 =	por !p2, p0  }
0x20: {  	[sflag:s8] =	ssyncset.s32 @!p0 $0xFFFFF086;
	s6 =	sadd.s32 @!p0 s3, s7;
	s7 =	simm.s32 @!p0 $0x108  }
0x21: {  	s3 =	sadd.s32 s3, s9;
	s6 =	sadd.s32 @!p0 $0x88, s6;
	s7 =	simm.s32 @p2 $0x1082  }
0x22: {  	[simem:s7], [sflag:s8] =	dma.local @!p0 [hbm:s6], $0xF7A  }
0x23: {  	s9 =	sor.u32 $0xD0000000, s2;
	s6 =	simm.s32 $0x108;
	_ =	swait.ge @!p0 [sflag:s8], $0x0  }
0x24: {  	s3 =	sadd.s32 $0x88, s3;
	s6 =	simm.s32 @!p1 $0x1082;
	[sflag:s4] =	ssyncset.s32 $0xFFFFF086  }
0x25: {  	[simem:s6], [sflag:s4] =	dma.local [hbm:s3], $0xF7A  }
0x26: {  	[smem:$0x3F91] =	sst s1;
	(tag) =	ssettag s2;
	_ =	strace s9  }
0x27: {  	s1 =	sld [smem:$0x3FA1]  }
0x28: {  	s2 =	sld [smem:$0x3FA2]  }
0x29: {  	s4 =	sld [smem:$0x3FA4]  }
0x2a: {  	p0 =	seq.s32 s5, $0x0;
	s5 =	sld [smem:$0x3FA5]  }
0x2b: {  	s6 =	sld [smem:$0x3FA6]  }
0x2c: {  	s7 =	sld [smem:$0x3FA7]  }
0x2d: {  	s3 =	simm.s32 $0x108;
	s8 =	sld [smem:$0x3FA8]  }
0x2e: {  	s3 =	simm.s32 @!p0 $0x1082;
	s9 =	sld [smem:$0x3FA9]  }
0x2f: {  	lr =	sadd.s32 s0, s3;
	s0 =	sld [smem:$0x3FA0]  }
0x30: {  	s3 =	sld [smem:$0x3FA3]  }
0x31: {  	[smem:$0x3FAC] =	sst s10  }
0x32: {  	s10 =	sld [smem:$0x3FAA];
	_ =	sdelay $0x3  }
0x33: {  	p0 =	seq.s32 s10, $0x1;
	s10 =	sld [smem:$0x3FAC];
	_ =	sdelay $0x3  }
0x34: {  	[smem:$0x3FAC] =	sst s10  }
0x35: {  	s10 =	sld [smem:$0x3FAB];
	_ =	sdelay $0x3  }
0x36: {  	p1 =	seq.s32 s10, $0x1;
	s10 =	sld [smem:$0x3FAC];
	_ =	sdelay $0x3  }
0x37: {  	[smem:$0x3FAC] =	sst s10  }
0x38: {  	s10 =	sld [smem:$0x3FAD]  }
0x39: {  	_ = 	snop;
	(pc) =	sbr.ind lr, $3  }
0x3a: {  	_ = 	snop  }
0x3b: {  	_ = 	snop  }
0x3c: {  	p2 =	seq.s32 s10, $0x1;
	s10 =	sld [smem:$0x3FAC]  }
0x3d: {  	_ =	shalt  }
0x3e: {  	_ =	shalt  }
0x3f: {  	_ =	shalt  }
0x40: {  	_ =	shalt  }
0x41: {  	_ =	shalt  }
0x42: {  	_ =	shalt  }
0x43: {  	_ =	shalt  }
0x44: {  	_ =	shalt  }
0x45: {  	_ =	shalt  }
0x46: {  	_ =	shalt  }
0x47: {  	_ =	shalt  }
0x48: {  	_ =	shalt  }
0x49: {  	_ =	shalt  }
0x4a: {  	_ =	shalt  }
0x4b: {  	_ =	shalt  }
0x4c: {  	_ =	shalt  }
0x4d: {  	_ =	shalt  }
0x4e: {  	_ =	shalt  }
0x4f: {  	_ =	shalt  }
0x50: {  	_ =	shalt  }
0x51: {  	_ =	shalt  }
0x52: {  	_ =	shalt  }
0x53: {  	_ =	shalt  }
0x54: {  	_ =	shalt  }
0x55: {  	_ =	shalt  }
0x56: {  	_ =	shalt  }
0x57: {  	_ =	shalt  }
0x58: {  	_ =	shalt  }
0x59: {  	_ =	shalt  }
0x5a: {  	_ =	shalt  }
0x5b: {  	_ =	shalt  }
0x5c: {  	_ =	shalt  }
0x5d: {  	_ =	shalt  }
0x5e: {  	_ =	shalt  }
0x5f: {  	_ =	shalt  }
0x60: {  	_ =	shalt  }
0x61: {  	_ =	shalt  }
0x62: {  	_ =	shalt  }
0x63: {  	_ =	shalt  }
0x64: {  	_ =	shalt  }
0x65: {  	_ =	shalt  }
0x66: {  	_ =	shalt  }
0x67: {  	_ =	shalt  }
0x68: {  	_ =	shalt  }
0x69: {  	_ =	shalt  }
0x6a: {  	_ =	shalt  }
0x6b: {  	_ =	shalt  }
0x6c: {  	_ =	shalt  }
0x6d: {  	_ =	shalt  }
0x6e: {  	_ =	shalt  }
0x6f: {  	_ =	shalt  }
0x70: {  	_ =	shalt  }
0x71: {  	_ =	shalt  }
0x72: {  	_ =	shalt  }
0x73: {  	_ =	shalt  }
0x74: {  	_ =	shalt  }
0x75: {  	_ =	shalt  }
0x76: {  	_ =	shalt  }
0x77: {  	_ =	shalt  }
0x78: {  	_ =	shalt  }
0x79: {  	_ =	shalt  }
0x7a: {  	_ =	shalt  }
0x7b: {  	_ =	shalt  }
0x7c: {  	_ =	shalt  }
0x7d: {  	_ =	shalt  }
0x7e: {  	_ =	shalt  }
0x7f: {  	_ =	shalt  }
0x80: {  	_ =	shalt  }
0x81: {  	_ =	shalt  }
0x82: {  	_ =	shalt  }
0x83: {  	_ =	shalt  }
0x84: {  	_ =	shalt  }
0x85: {  	_ =	shalt  }
0x86: {  	_ =	shalt  }
0x87: {  	_ =	shalt  }
.Lfunc_end0:
.L_simem_size_0:
called_computation_lowered:
.L_overlay_start_0:
0x88: {  	s2 =	sld [smem:$0x3FD9]  }
0x89: {  	s3 =	sld [smem:$0x3FFE];
	_ =	sdelay $0x1  }
0x8a: {  	s1 =	srdreg.scid  }
0x8b: {  	s0 =	sand.u32 $0x1, s1  }
0x8c: {  	s14 =	sshll.u32 s0, $0xA;
	s2 =	sadd.s32 s3, s2  }
0x8d: {  	s2 =	sadd.s32 s2, s14  }
0x8e: {  	[smem:$0x3FB8] =	sst s2  }
0x8f: {  	_ = 	snop  }
0x90: {  	s2 =	sld [smem:$0x3FD0];
	_ =	sdelay $0x2  }
0x91: {  	s15 =	simm.s32 $0xA;
	s4 =	simm.s32 $0x10  }
0x92: {  	[smem:s4], [sflag:s15] =	dma.local [hbm:s2], $0x1  }
0x93: {  	_ =	swait.eq [sflag:s15], $0x1  }
0x94: {  	[sflag:s15] =	ssyncset.done $0x0  }
0x95: {  	[sflag:s15] =	ssyncadd.s32 $0xFFFFFFFF  }
0x96: {  	s16 =	sld [smem:$0x10];
	(tm) =	ssettm $0x1  }
0x97: {  	s17 =	sld [smem:$0x3FFB];
	_ =	sdelay $0x3  }
0x98: {  	_ =	strace s17  }
0x99: {  	s3 =	sld [smem:$0x3FFC];
	_ =	sdelay $0x3  }
0x9a: {  	_ =	strace s3  }
0x9b: {  	s3 =	sld [smem:$0x3FFD];
	_ =	sdelay $0x3  }
0x9c: {  	_ =	strace s3  }
0x9d: {  	_ =	strace $0x8FFFFFFF  }
0x9e: {  	s18 =	sld [smem:$0x3FDB];
	_ =	sdelay $0x1  }
0x9f: {  	s19 =	simm.s32 $_scs_section_size  }
0xa0: {  	s5 =	simm.s32 $_size__tile_overlayer_lowered;
	s6 =	simm.s32 $_tile_overlayer_lowered  }
0xa1: {  	s22 =	simm.s32 $0x1BFF;
	s21 =	sshll.u32 s6, $0x1;
	s3 =	sadd.s32 s19, s18  }
0xa2: {  	s7 =	simm.s32 $0x0;
	s20 =	sshll.u32 s5, $0x1;
	s5 =	sadd.s32 s21, s3  }
0xa3: {  	[timem:s7], [sflag:s22] =	dma.local [hbm:s5], s20  }
0xa4: {  	_ =	swait.ge [sflag:s22], s20  }
0xa5: {  	s4 =	ssub.s32 $0x0, s20;
	[sflag:s22] =	ssyncset.done $0x0  }
0xa6: {  	[sflag:s22] =	ssyncadd.s32 s4;
	_ =	sdelay $0x1  }
0xa7: {  	s23 =	simm.s32 $0x1B8B  }
0xa8: {  	_ =	swait.ge [sflag:s23], $0x1  }
0xa9: {  	[sflag:s23] =	ssyncset.done $0x0  }
0xaa: {  	s25 =	simm.s32 $0x1B8E;
	s24 =	sld [smem:$0x3FFE];
	[sflag:s23] =	ssyncadd.s32 $0xFFFFFFFF  }
0xab: {  	s26 =	simm.s32 $execute0_lowered;
	[smem:$0x3FD2] =	sst s25  }
0xac: {  	s5 =	sshll.u32 s26, $0x1;
	_ =	strace $0x80000046;
	[dreg:$0x1] =	wrdreg $0xFFFFFFFF  }
0xad: {  	s28 =	simm.s32 $_size_execute0_lowered;
	s3 =	sadd.s32 s3, s5;
	[dreg:$0x0] =	wrdreg $0x0  }
0xae: {  	s5 =	sshll.u32 s28, $0x1;
	[dreg:$0x2] =	wrdreg s3  }
0xaf: {  	[dreg:$0x3] =	wrdreg s5  }
0xb0: {  	[dreg:$0x4] =	wrdreg $0xC0  }
0xb1: {  	_ =	task [dreg:s7], $0x5FFFF  }
0xb2: {  	[dreg:$0x1] =	wrdreg $0xFFFFFFFF  }
0xb3: {  	[dreg:$0x0] =	wrdreg $0x60  }
0xb4: {  	[dreg:$0x2] =	wrdreg s24  }
0xb5: {  	[dreg:$0x3] =	wrdreg s16  }
0xb6: {  	[dreg:$0x4] =	wrdreg $0x9  }
0xb7: {  	_ =	task.clear_ibuf [dreg:s7], $0x5FFFF;
	_ =	strace $0x90000046  }
0xb8: {  	s29 =	simm.s32 $0x9;
	_ =	strace $0x80000048  }
0xb9: {  	_ =	swait.ge [sflag:s29], $0x1  }
0xba: {  	[sflag:s29] =	ssyncadd.s32 $0xFFFFFFFF  }
0xbb: {  	_ =	strace $0x90000048  }
0xbc: {  	_ =	sfence  }
0xbd: {  	s30 =	sld [smem:$0x0];
	_ =	sdelay $0x2  }
0xbe: {  	s31 =	sshll.u32 s1, $0xD;
	s1 =	sshrl.u32 s1, $0x2  }
0xbf: {  	s3 =	sand.u32 $0x4000, s31;
	s1 =	sadd.s32 s1, s30  }
0xc0: {  	s0 =	sor.u32 s3, s0;
	s1 =	sshll.u32 s1, $0x11  }
0xc1: {  	s0 =	sor.u32 s1, s0  }
0xc2: {  	s0 =	sadd.s32 $0x8F2B, s0  }
0xc3: {  	[sflag:s0] =	ssyncadd.remote.s32 $0x1  }
0xc4: {  	_ =	sfence.sel $0xFFFF  }
0xc5: {  	[dreg:$0x0] =	wrdreg $0xFFFFFFFF;
	(pc) =	sbr.abs _section_cstart, $3  }
0xc6: {  	[dreg:$0x1] =	wrdreg $0xFFFFFFFF  }
0xc7: {  	_ =	task.clear_ibuf [dreg:s7], $0x2FFFF;
	_ =	strace $0x9FFFFFFF  }
0xc8: {  	(tm) =	ssettm $0x7FFFFFFF  }
0xc9: {  	_ =	shalt  }
tec
execute0_lowered:
.L_overlay_start_1:
0x0: {  	(tag) =	ssettag $0x1  }
0x1: {  	s4 =	rddreg [dreg:$0x0]  }
0x2: {  	s5 =	rddreg [dreg:$0x1]  }
0x3: {  	s0 =	rddreg [dreg:$0x2];
	s1 =	simm.s32 $0x0  }
0x4: {  	s6 =	srdreg.scid;
	s2 =	stileid.u32;
	s12 =	simm.s32 $0x1  }
0x5: {  	s13 =	simm.s32 $0x2;
	s14 =	simm.s32 $0x0;
	[smem:$0x7FF] =	sst s1  }
0x6: {  	s3 =	sadd.s32 $0x82E00, s4;
	s6 =	sand.u32 $0x1, s6;
	s7 =	sadd.s32 $0xC2E00, s4  }
0x7: {  	s8 =	sshll.u32 s2, $0xB;
	s10 =	sshll.u32 s2, $0x15;
	_ =	strace $0x80000047  }
0x8: {  	s29 =	ssub.s32 $0x2, s6;
	s9 =	sshll.u32 s6, $0xA;
	s6 =	sshll.u32 s6, $0x14  }
0x9: {  	s11 =	sshrl.u32 s29, $0x1;
	s8 =	sor.u32 s9, s8;
	s6 =	sor.u32 s6, s10  }
0xa: {  	s9 =	simm.s32 $0x80;
	s10 =	simm.s32 $0x2000;
	s30 =	ssub.s32 s29, s11  }
0xb: {  	s4 =	sadd.s32 s5, s8;
	s31 =	sor.u32 $0x4000, s6;
	s6 =	sshrl.u32 s6, $0x3  }
0xc: {  	s11 =	simm.s32 $0x6000;
	s5 =	smax.u32 s30, $0x1;
	s8 =	sshrl.u32 s31, $0x3  }
0xd: {  	s6 =	sadd.s32 s6, s7;
	s7 =	sadd.s32 s8, s7;
	s8 =	simm.s32 $0x3  }
.LBB2_1:
0xe: {  	[tilespmem:s1], [sflag:$0x3] =	stream.linear.gather [hbm4b:s4+s1], $0x2000, $0x38;
	[tilespmem:$0xA000] =	vst v63  }
0xf: {  	_ =	swait.ge [sflag:s8], $0x2000  }
0x10: {  	[sflag:s8] =	ssyncset.done $0x0  }
0x11: {  	[sflag:s8] =	ssyncadd.s32 $0xFFFFE000  }
0x12: {  	[tilespmem:s10], [sflag:$0x1] =	stream.indirect.gather [hbm4b:s3+s9], $0x80, s1, s9, $0xb8;
	[tilespmem:$0xA000] =	vst v63  }
0x13: {  	s15 =	simm.s32 $0x80  }
0x14: {  	[tilespmem:s11], [sflag:$0x2] =	stream.indirect.gather [hbm4b:s3+s9], $0x80, s15, s9, $0xb8;
	[tilespmem:$0xA000] =	vst v63  }
0x15: {  	_ =	swait.ge [sflag:s12], $0x4000  }
0x16: {  	[sflag:s12] =	ssyncset.done $0x0  }
0x17: {  	s30 =	sadd.s32 $0x0, s6;
	[sflag:s12] =	ssyncadd.s32 $0xFFFFC000  }
0x18: {  	[hbm4b:s30+s1] =	stream.linear.scatter [tilespmem:s10], [sflag:$0x3], $0x4000, $0x38;
	[tilespmem:$0xA000] =	vst v63  }
0x19: {  	_ =	swait.ge [sflag:s8], $0x4000  }
0x1a: {  	[sflag:s8] =	ssyncset.done $0x0  }
0x1b: {  	[sflag:s8] =	ssyncadd.s32 $0xFFFFC000  }
0x1c: {  	_ =	swait.ge [sflag:s13], $0x4000  }
0x1d: {  	[sflag:s13] =	ssyncset.done $0x0  }
0x1e: {  	s31 =	sadd.s32 $0x0, s7;
	[sflag:s13] =	ssyncadd.s32 $0xFFFFC000  }
0x1f: {  	[hbm4b:s31+s1] =	stream.linear.scatter [tilespmem:s11], [sflag:$0x3], $0x4000, $0x38;
	[tilespmem:$0xA000] =	vst v63  }
0x20: {  	_ =	swait.ge [sflag:s8], $0x4000  }
0x21: {  	s16 =	simm.s32 $0x0;
	s15 =	simm.s32 $0x1000;
	[sflag:s8] =	ssyncset.done $0x0  }
.LBB2_2:
0x22: {  	p0 =	sne.s32 s15, $0x1F000;
	[sflag:s8] =	ssyncadd.s32 $0xFFFFC000;
	s16 =	sadd.s32 $0x100, s16  }
0x23: {  	[tilespmem:s10], [sflag:$0x1] =	stream.indirect.gather [hbm4b:s3+s9], $0x80, s16, s9, $0xb8;
	[tilespmem:$0xA000] =	vst v63  }
0x24: {  	s18 =	smov.u32 s15;
	s15 =	sadd.s32 $0x1000, s15;
	s17 =	sadd.s32 $0x80, s16  }
0x25: {  	[tilespmem:s11], [sflag:$0x2] =	stream.indirect.gather [hbm4b:s3+s9], $0x80, s17, s9, $0xb8;
	[tilespmem:$0xA000] =	vst v63  }
0x26: {  	_ =	swait.ge [sflag:s12], $0x4000  }
0x27: {  	[sflag:s12] =	ssyncset.done $0x0  }
0x28: {  	s17 =	sadd.s32 s18, s6;
	[sflag:s12] =	ssyncadd.s32 $0xFFFFC000  }
0x29: {  	[hbm4b:s17+s1] =	stream.linear.scatter [tilespmem:s10], [sflag:$0x3], $0x4000, $0x38;
	[tilespmem:$0xA000] =	vst v63  }
0x2a: {  	_ =	swait.ge [sflag:s8], $0x4000  }
0x2b: {  	[sflag:s8] =	ssyncset.done $0x0  }
0x2c: {  	[sflag:s8] =	ssyncadd.s32 $0xFFFFC000  }
0x2d: {  	_ =	swait.ge [sflag:s13], $0x4000  }
.Ltmp0:
0x2e: {  	[sflag:s13] =	ssyncset.done $0x0;
	(pc) =	sbr.rel @p0 .LBB2_2-.Ltmp0, $4  }
0x2f: {  	s17 =	sadd.s32 s18, s7;
	[sflag:s13] =	ssyncadd.s32 $0xFFFFC000  }
0x30: {  	[hbm4b:s17+s1] =	stream.linear.scatter [tilespmem:s11], [sflag:$0x3], $0x4000, $0x38;
	[tilespmem:$0xA000] =	vst v63  }
0x31: {  	_ =	swait.ge [sflag:s8], $0x4000  }
0x32: {  	[sflag:s8] =	ssyncset.done $0x0  }
0x33: {  	s14 =	sadd.s32 $0x1, s14  }
0x34: {  	p0 =	sne.s32 s14, s5  }
.Ltmp1:
0x35: {  	_ = 	snop;
	(pc) =	sbr.rel @p0 .LBB2_1-.Ltmp1, $2  }
0x36: {  	_ =	sdelay $0x2  }
0x37: {  	[sflag:s8] =	ssyncadd.s32 $0xFFFFC000  }
0x38: {  	_ =	sfence.sel $0x180000  }
0x39: {  	[bflag:$0x0] =	sbarrier.arrive $0xFFFF  }
0x3a: {  	p0 =	sne.s32 s2, $0x0;
	_ =	strace $0x90000047  }
0x3b: {  	s0 =	sadd.s32 @!p0 $0x100000, s0;
	[bflag:$0x2] =	sbarrier.arrive $0xFFFF  }
0x3c: {  	[sflag:s0] =	ssyncadd.tile.s32 @!p0 $0x1;
	_ =	shalt  }
.Lfunc_end2:
_tile_overlayer_lowered:
.L_overlay_start_2:
0x3d: {  	(tag) =	ssettag $0x2  }
0x3e: {  	s0 =	rddreg [dreg:$0x0];
	s2 =	stileid.u32  }
0x3f: {  	s1 =	rddreg [dreg:$0x1];
	p0 =	sne.s32 s2, $0x0  }
0x40: {  	s3 =	rddreg [dreg:$0x2];
	[bflag:$0x3] =	sbarrier.arrive $0xFFFF;
	s2 =	simm.s32 @!p0 $0x1C03  }
0x41: {  	[timem:s3], [sflag:s2] =	dma.local @!p0 [hbm:s0], s1  }
0x42: {  	s0 =	simm.s32 @!p0 $0x3  }
0x43: {  	_ =	swait.ge @!p0 [sflag:s0], s1  }
0x44: {  	s1 =	ssub.s32 @!p0 $0x0, s1;
	[sflag:s0] =	ssyncset.done @!p0 $0x0  }
0x45: {  	[sflag:s0] =	ssyncadd.s32 @!p0 s1  }
0x46: {  	[bflag:$0x3] =	sbarrier.arrive $0xFFFF  }
0x47: {  	_ =	shalt  }

</sc_bundles>
